<compile_context>
chip_gen: v7x
topology: tpu7x:2x2x1
jax: 0.10.2.dev20260603
libtpu: 0.0.44.dev20260713+nightly
codegen_flags: <defaults>
</compile_context>

<pallas_src>
import functools

import jax
import jax.numpy as jnp
from jax import lax
from jax.experimental import pallas as pl
from jax.experimental.pallas import tpu as pltpu
from jax.experimental.pallas import tpu_sc as plsc

DIM = 50
PAD_DIM = 56
TBL_DIM = 128
BATCH = 4096
CTX_LEN = 200
Q_LEN = 20
CTX_TOKENS = BATCH * CTX_LEN
Q_TOKENS = BATCH * Q_LEN
NC = 2
NS = 16
NW = NC * NS
CHUNK = 128
CTX_CHUNKS = CTX_TOKENS // (NW * CHUNK)
Q_CHUNKS = Q_TOKENS // (NW * CHUNK)


def _make_kernel():
  mesh = plsc.VectorSubcoreMesh(core_axis_name="c", subcore_axis_name="s")

  @functools.partial(
      pl.kernel,
      mesh=mesh,
      out_type=[
          jax.ShapeDtypeStruct((CTX_TOKENS, TBL_DIM), jnp.float32),
          jax.ShapeDtypeStruct((Q_TOKENS, TBL_DIM), jnp.float32),
      ],
      scratch_types=[
          pltpu.VMEM((CTX_CHUNKS, CHUNK), jnp.int32),
          pltpu.VMEM((Q_CHUNKS, CHUNK), jnp.int32),
          pltpu.VMEM((CHUNK, TBL_DIM), jnp.float32),
          pltpu.VMEM((CHUNK, TBL_DIM), jnp.float32),
          pltpu.VMEM((CHUNK, TBL_DIM), jnp.float32),
          pltpu.VMEM((CHUNK, TBL_DIM), jnp.float32),
          pltpu.SemaphoreType.DMA,
          pltpu.SemaphoreType.DMA,
          pltpu.SemaphoreType.DMA,
          pltpu.SemaphoreType.DMA,
          pltpu.SemaphoreType.DMA,
          pltpu.SemaphoreType.DMA,
          pltpu.SemaphoreType.DMA,
          pltpu.SemaphoreType.DMA,
      ],
      compiler_params=pltpu.CompilerParams(use_tc_tiling_on_sc=False),
  )
  def gather_kernel(table_hbm, ctx_idx_hbm, q_idx_hbm, t_out, j_out,
                    ctx_idx_v, q_idx_v, rows0_v, rows1_v, rows2_v, rows3_v,
                    sem_g0, sem_g1, sem_g2, sem_g3,
                    sem_s0, sem_s1, sem_s2, sem_s3):
    wid = lax.axis_index("s") * NC + lax.axis_index("c")
    pltpu.sync_copy(ctx_idx_hbm.at[wid], ctx_idx_v)
    pltpu.sync_copy(q_idx_hbm.at[wid], q_idx_v)

    ctx_base = wid * (CTX_CHUNKS * CHUNK)
    q_base = wid * (Q_CHUNKS * CHUNK)

    rows = (rows0_v, rows1_v, rows2_v, rows3_v)
    sem_g = (sem_g0, sem_g1, sem_g2, sem_g3)
    sem_s = (sem_s0, sem_s1, sem_s2, sem_s3)
    nbuf = 4

    def make_ring_body(idx_v, out_ref, base, n_groups):
      def group_body(k, carry):
        i0 = nbuf * k
        dsts = [out_ref.at[pl.ds(base + (i0 + b) * CHUNK, CHUNK)]
                for b in range(nbuf)]

        @pl.when(k > 0)
        def _():
          for b in range(nbuf):
            pltpu.make_async_copy(rows[b], dsts[b], sem_s[b]).wait()

        gathers = [
            pltpu.async_copy(table_hbm.at[idx_v.at[i0 + b]], rows[b],
                             sem_g[b])
            for b in range(nbuf)
        ]
        for b in range(nbuf):
          gathers[b].wait()
          pltpu.async_copy(rows[b], dsts[b], sem_s[b])
        return carry

      lax.fori_loop(0, n_groups, group_body, 0)
      for b in range(nbuf):
        pltpu.make_async_copy(rows[b], out_ref.at[pl.ds(base, CHUNK)],
                              sem_s[b]).wait()

    make_ring_body(ctx_idx_v, t_out, ctx_base, CTX_CHUNKS // nbuf)
    make_ring_body(q_idx_v, j_out, q_base, Q_CHUNKS // nbuf)

  return gather_kernel


_GATHER = _make_kernel()

_PAD_ROWS = 10000


def _pad_block(in_ref, out_ref):
  out_ref[:, :DIM] = in_ref[...]


def _pad_table(emb_matrix):
  vocab = emb_matrix.shape[0]
  return pl.pallas_call(
      _pad_block,
      grid=(vocab // _PAD_ROWS,),
      in_specs=[pl.BlockSpec((_PAD_ROWS, DIM), lambda i: (i, 0))],
      out_specs=pl.BlockSpec((_PAD_ROWS, TBL_DIM), lambda i: (i, 0)),
      out_shape=jax.ShapeDtypeStruct((vocab, TBL_DIM), jnp.float32),
  )(emb_matrix)


@jax.jit
def kernel(context_ids, question_ids, emb_matrix):
  emb_padded = _pad_table(emb_matrix)
  ctx = context_ids.astype(jnp.int32).reshape(NW, CTX_CHUNKS, CHUNK)
  q = question_ids.astype(jnp.int32).reshape(NW, Q_CHUNKS, CHUNK)
  t_flat, j_flat = _GATHER(emb_padded, ctx, q)
  return (t_flat[:, :DIM].reshape(BATCH, CTX_LEN, DIM),
          j_flat[:, :DIM].reshape(BATCH, Q_LEN, DIM))

# --- scband reference (transcript-rebuilt; emitter-appended) ---
"""Pipeline reference for scband-w2-vec-layer-11519102288076 (READ-ONLY COPY).

The authoritative reference and input builder live on the scoring server;
editing this copy changes nothing except your own understanding.
"""

import jax, jax.numpy as jnp
import numpy as np

VOCAB = 1000000
GLOVE_DIM = 50
BATCH = 4096
CONTEXT_MAX_LEN = 200
QUESTION_MAX_LEN = 20


def setup_inputs(seed: int = 0) -> dict:
    key = jax.random.key(seed)
    k1, k2, k3 = jax.random.split(key, 3)
    context_ids = jax.random.randint(k1, (BATCH, CONTEXT_MAX_LEN), 0, VOCAB, dtype=jnp.int32).astype(jnp.int64)
    question_ids = jax.random.randint(k2, (BATCH, QUESTION_MAX_LEN), 0, VOCAB, dtype=jnp.int32).astype(jnp.int64)
    emb_matrix = jax.random.normal(k3, (VOCAB, GLOVE_DIM), dtype=jnp.float32)
    return {"context_ids": context_ids, "question_ids": question_ids, "emb_matrix": emb_matrix}


def reference(context_ids, question_ids, emb_matrix):
    # Tensorized, faithful version of W2VecLayer.call: per-token GloVe embedding
    # lookup for context and question sequences (already tokenized / id-mapped,
    # padded to context_max_len and question_max_len). Returns the list [T, J]
    # as a tuple of two arrays.
    T = jnp.take(emb_matrix, context_ids, axis=0)   # [B, context_max_len, glove_dim]
    J = jnp.take(emb_matrix, question_ids, axis=0)  # [B, question_max_len, glove_dim]
    return (T, J)

if __name__ == "__main__":
    import jax
    _d = setup_inputs()
    print(jax.jit(kernel)(*tuple(_d.values())))

</pallas_src>

<mosaic_0001>
#map = affine_map<(d0, d1) -> (0, 0)>
#map1 = affine_map<(d0, d1) -> (0, 0, 0)>
module attributes {stable_mosaic.version = 14 : i64} {
  func.func @gather_kernel(%arg0: i32, %arg1: i32, %arg2: memref<1000000x128xf32, #tpu.memory_space<hbm>>, %arg3: memref<32x200x128xi32, #tpu.memory_space<hbm>>, %arg4: memref<32x20x128xi32, #tpu.memory_space<hbm>>, %arg5: memref<819200x128xf32, #tpu.memory_space<hbm>>, %arg6: memref<81920x128xf32, #tpu.memory_space<hbm>>, %arg7: memref<200x128xi32, #tpu.memory_space<vmem>>, %arg8: memref<20x128xi32, #tpu.memory_space<vmem>>, %arg9: memref<128x128xf32, #tpu.memory_space<vmem>>, %arg10: memref<128x128xf32, #tpu.memory_space<vmem>>, %arg11: memref<128x128xf32, #tpu.memory_space<vmem>>, %arg12: memref<128x128xf32, #tpu.memory_space<vmem>>, %arg13: memref<!tpu.dma_semaphore, #tpu.memory_space<semaphore_mem>>, %arg14: memref<!tpu.dma_semaphore, #tpu.memory_space<semaphore_mem>>, %arg15: memref<!tpu.dma_semaphore, #tpu.memory_space<semaphore_mem>>, %arg16: memref<!tpu.dma_semaphore, #tpu.memory_space<semaphore_mem>>, %arg17: memref<!tpu.dma_semaphore, #tpu.memory_space<semaphore_mem>>, %arg18: memref<!tpu.dma_semaphore, #tpu.memory_space<semaphore_mem>>, %arg19: memref<!tpu.dma_semaphore, #tpu.memory_space<semaphore_mem>>, %arg20: memref<!tpu.dma_semaphore, #tpu.memory_space<semaphore_mem>>) attributes {dimension_semantics = [#tpu.dimension_semantics<core_parallel>, #tpu.dimension_semantics<subcore_parallel>], iteration_bounds = array<i64: 2, 16>, scalar_prefetch = 0 : i64, scratch_operands = 14 : i64, tpu.core_type = #tpu.core_type<sc_vector_subcore>, window_params = [{transform_indices = #map}, {transform_indices = #map1}, {transform_indices = #map1}, {transform_indices = #map}, {transform_indices = #map}]} {
    %mul3A = arith.constant 2 : i32
    %mul3A_0 = arith.muli %arg1, %mul3A : i32
    %add3A = arith.addi %mul3A_0, %arg0 : i32
    "tpu.region"() ({
      %run_scoped3A = tpu.sem_alloc : memref<!tpu.dma_semaphore, #tpu.memory_space<semaphore_mem>>
      %dma_start3A = arith.constant 0 : i32
      %dma_start3A_47 = arith.constant 0 : i32
      %dma_start3A_48 = tpu.memref_slice %arg3[%add3A, %dma_start3A, %dma_start3A_47] : memref<32x200x128xi32, #tpu.memory_space<hbm>> -> memref<1x200x128xi32, #tpu.memory_space<hbm>>
      %dma_start3A_49 = tpu.memref_squeeze %dma_start3A_48 : memref<1x200x128xi32, #tpu.memory_space<hbm>> -> memref<200x128xi32, #tpu.memory_space<hbm>>
      %dma_start3A_50 = arith.constant 0 : i32
      %dma_start3A_51 = arith.constant 0 : i32
      %dma_start3A_52 = tpu.memref_slice %arg3[%add3A, %dma_start3A_50, %dma_start3A_51] : memref<32x200x128xi32, #tpu.memory_space<hbm>> -> memref<1x200x128xi32, #tpu.memory_space<hbm>>
      %dma_start3A_53 = tpu.memref_squeeze %dma_start3A_52 : memref<1x200x128xi32, #tpu.memory_space<hbm>> -> memref<200x128xi32, #tpu.memory_space<hbm>>
      tpu.enqueue_dma source(%dma_start3A_53 : memref<200x128xi32, #tpu.memory_space<hbm>>) target(%arg7 : memref<200x128xi32, #tpu.memory_space<vmem>>) target_semaphore(%run_scoped3A : memref<!tpu.dma_semaphore, #tpu.memory_space<semaphore_mem>>)
      %dma_wait3A_54 = arith.constant 0 : i32
      %dma_wait3A_55 = arith.constant 0 : i32
      %dma_wait3A_56 = tpu.memref_slice %arg3[%add3A, %dma_wait3A_54, %dma_wait3A_55] : memref<32x200x128xi32, #tpu.memory_space<hbm>> -> memref<1x200x128xi32, #tpu.memory_space<hbm>>
      %dma_wait3A_57 = tpu.memref_squeeze %dma_wait3A_56 : memref<1x200x128xi32, #tpu.memory_space<hbm>> -> memref<200x128xi32, #tpu.memory_space<hbm>>
      %dma_wait3A_58 = arith.constant 0 : i32
      %dma_wait3A_59 = arith.constant 0 : i32
      %dma_wait3A_60 = tpu.memref_slice %arg3[%add3A, %dma_wait3A_58, %dma_wait3A_59] : memref<32x200x128xi32, #tpu.memory_space<hbm>> -> memref<1x200x128xi32, #tpu.memory_space<hbm>>
      %dma_wait3A_61 = tpu.memref_squeeze %dma_wait3A_60 : memref<1x200x128xi32, #tpu.memory_space<hbm>> -> memref<200x128xi32, #tpu.memory_space<hbm>>
      tpu.wait_dma2 semaphore(%run_scoped3A : memref<!tpu.dma_semaphore, #tpu.memory_space<semaphore_mem>>) src(%dma_wait3A_61 : memref<200x128xi32, #tpu.memory_space<hbm>>) dst(%arg7 : memref<200x128xi32, #tpu.memory_space<vmem>>)
      tpu.yield
    }) : () -> ()
    "tpu.region"() ({
      %run_scoped3A = tpu.sem_alloc : memref<!tpu.dma_semaphore, #tpu.memory_space<semaphore_mem>>
      %dma_start3A = arith.constant 0 : i32
      %dma_start3A_47 = arith.constant 0 : i32
      %dma_start3A_48 = tpu.memref_slice %arg4[%add3A, %dma_start3A, %dma_start3A_47] : memref<32x20x128xi32, #tpu.memory_space<hbm>> -> memref<1x20x128xi32, #tpu.memory_space<hbm>>
      %dma_start3A_49 = tpu.memref_squeeze %dma_start3A_48 : memref<1x20x128xi32, #tpu.memory_space<hbm>> -> memref<20x128xi32, #tpu.memory_space<hbm>>
      %dma_start3A_50 = arith.constant 0 : i32
      %dma_start3A_51 = arith.constant 0 : i32
      %dma_start3A_52 = tpu.memref_slice %arg4[%add3A, %dma_start3A_50, %dma_start3A_51] : memref<32x20x128xi32, #tpu.memory_space<hbm>> -> memref<1x20x128xi32, #tpu.memory_space<hbm>>
      %dma_start3A_53 = tpu.memref_squeeze %dma_start3A_52 : memref<1x20x128xi32, #tpu.memory_space<hbm>> -> memref<20x128xi32, #tpu.memory_space<hbm>>
      tpu.enqueue_dma source(%dma_start3A_53 : memref<20x128xi32, #tpu.memory_space<hbm>>) target(%arg8 : memref<20x128xi32, #tpu.memory_space<vmem>>) target_semaphore(%run_scoped3A : memref<!tpu.dma_semaphore, #tpu.memory_space<semaphore_mem>>)
      %dma_wait3A_54 = arith.constant 0 : i32
      %dma_wait3A_55 = arith.constant 0 : i32
      %dma_wait3A_56 = tpu.memref_slice %arg4[%add3A, %dma_wait3A_54, %dma_wait3A_55] : memref<32x20x128xi32, #tpu.memory_space<hbm>> -> memref<1x20x128xi32, #tpu.memory_space<hbm>>
      %dma_wait3A_57 = tpu.memref_squeeze %dma_wait3A_56 : memref<1x20x128xi32, #tpu.memory_space<hbm>> -> memref<20x128xi32, #tpu.memory_space<hbm>>
      %dma_wait3A_58 = arith.constant 0 : i32
      %dma_wait3A_59 = arith.constant 0 : i32
      %dma_wait3A_60 = tpu.memref_slice %arg4[%add3A, %dma_wait3A_58, %dma_wait3A_59] : memref<32x20x128xi32, #tpu.memory_space<hbm>> -> memref<1x20x128xi32, #tpu.memory_space<hbm>>
      %dma_wait3A_61 = tpu.memref_squeeze %dma_wait3A_60 : memref<1x20x128xi32, #tpu.memory_space<hbm>> -> memref<20x128xi32, #tpu.memory_space<hbm>>
      tpu.wait_dma2 semaphore(%run_scoped3A : memref<!tpu.dma_semaphore, #tpu.memory_space<semaphore_mem>>) src(%dma_wait3A_61 : memref<20x128xi32, #tpu.memory_space<hbm>>) dst(%arg8 : memref<20x128xi32, #tpu.memory_space<vmem>>)
      tpu.yield
    }) : () -> ()
    %mul3A_1 = arith.constant 25600 : i32
    %mul3A_2 = arith.muli %add3A, %mul3A_1 : i32
    %mul3A_3 = arith.constant 2560 : i32
    %mul3A_4 = arith.muli %add3A, %mul3A_3 : i32
    %scan3A = arith.constant 0 : i32
    %scan3A_5 = arith.constant 0 : i32
    %scan3A_6 = arith.constant 50 : i32
    %scan3A_7 = arith.addi %scan3A_5, %scan3A_6 : i32
    %scan3A_8 = arith.constant 1 : i32
    scf.for %scan3A_47 = %scan3A_5 to %scan3A_7 step %scan3A_8  : i32 {
      %mul3A_48 = arith.constant 4 : i32
      %mul3A_49 = arith.muli %mul3A_48, %scan3A_47 : i32
      %add3A_50 = arith.constant 0 : i32
      %add3A_51 = arith.addi %mul3A_49, %add3A_50 : i32
      %mul3A_52 = arith.constant 128 : i32
      %mul3A_53 = arith.muli %add3A_51, %mul3A_52 : i32
      %add3A_54 = arith.addi %mul3A_2, %mul3A_53 : i32
      %add3A_55 = arith.constant 1 : i32
      %add3A_56 = arith.addi %mul3A_49, %add3A_55 : i32
      %mul3A_57 = arith.constant 128 : i32
      %mul3A_58 = arith.muli %add3A_56, %mul3A_57 : i32
      %add3A_59 = arith.addi %mul3A_2, %mul3A_58 : i32
      %add3A_60 = arith.constant 2 : i32
      %add3A_61 = arith.addi %mul3A_49, %add3A_60 : i32
      %mul3A_62 = arith.constant 128 : i32
      %mul3A_63 = arith.muli %add3A_61, %mul3A_62 : i32
      %add3A_64 = arith.addi %mul3A_2, %mul3A_63 : i32
      %add3A_65 = arith.constant 3 : i32
      %add3A_66 = arith.addi %mul3A_49, %add3A_65 : i32
      %mul3A_67 = arith.constant 128 : i32
      %mul3A_68 = arith.muli %add3A_66, %mul3A_67 : i32
      %add3A_69 = arith.addi %mul3A_2, %mul3A_68 : i32
      %gt3A = arith.constant 0 : i32
      %gt3A_70 = arith.cmpi sgt, %scan3A_47, %gt3A : i32
      %convert_element_type3A = arith.extui %gt3A_70 : i1 to i32
      %cond3A = arith.constant 0 : i32
      %cond3A_71 = arith.cmpi ne, %convert_element_type3A, %cond3A : i32
      scf.if %cond3A_71 {
        %dma_wait3A_143 = arith.constant 0 : i32
        %dma_wait3A_144 = tpu.memref_slice %arg5[%add3A_54, %dma_wait3A_143] : memref<819200x128xf32, #tpu.memory_space<hbm>> -> memref<128x128xf32, #tpu.memory_space<hbm>>
        %dma_wait3A_145 = arith.constant 0 : i32
        %dma_wait3A_146 = tpu.memref_slice %arg5[%add3A_54, %dma_wait3A_145] : memref<819200x128xf32, #tpu.memory_space<hbm>> -> memref<128x128xf32, #tpu.memory_space<hbm>>
        tpu.wait_dma2 semaphore(%arg17 : memref<!tpu.dma_semaphore, #tpu.memory_space<semaphore_mem>>) src(%arg9 : memref<128x128xf32, #tpu.memory_space<vmem>>) dst(%dma_wait3A_146 : memref<128x128xf32, #tpu.memory_space<hbm>>)
        %dma_wait3A_147 = arith.constant 0 : i32
        %dma_wait3A_148 = tpu.memref_slice %arg5[%add3A_59, %dma_wait3A_147] : memref<819200x128xf32, #tpu.memory_space<hbm>> -> memref<128x128xf32, #tpu.memory_space<hbm>>
        %dma_wait3A_149 = arith.constant 0 : i32
        %dma_wait3A_150 = tpu.memref_slice %arg5[%add3A_59, %dma_wait3A_149] : memref<819200x128xf32, #tpu.memory_space<hbm>> -> memref<128x128xf32, #tpu.memory_space<hbm>>
        tpu.wait_dma2 semaphore(%arg18 : memref<!tpu.dma_semaphore, #tpu.memory_space<semaphore_mem>>) src(%arg10 : memref<128x128xf32, #tpu.memory_space<vmem>>) dst(%dma_wait3A_150 : memref<128x128xf32, #tpu.memory_space<hbm>>)
        %dma_wait3A_151 = arith.constant 0 : i32
        %dma_wait3A_152 = tpu.memref_slice %arg5[%add3A_64, %dma_wait3A_151] : memref<819200x128xf32, #tpu.memory_space<hbm>> -> memref<128x128xf32, #tpu.memory_space<hbm>>
        %dma_wait3A_153 = arith.constant 0 : i32
        %dma_wait3A_154 = tpu.memref_slice %arg5[%add3A_64, %dma_wait3A_153] : memref<819200x128xf32, #tpu.memory_space<hbm>> -> memref<128x128xf32, #tpu.memory_space<hbm>>
        tpu.wait_dma2 semaphore(%arg19 : memref<!tpu.dma_semaphore, #tpu.memory_space<semaphore_mem>>) src(%arg11 : memref<128x128xf32, #tpu.memory_space<vmem>>) dst(%dma_wait3A_154 : memref<128x128xf32, #tpu.memory_space<hbm>>)
        %dma_wait3A_155 = arith.constant 0 : i32
        %dma_wait3A_156 = tpu.memref_slice %arg5[%add3A_69, %dma_wait3A_155] : memref<819200x128xf32, #tpu.memory_space<hbm>> -> memref<128x128xf32, #tpu.memory_space<hbm>>
        %dma_wait3A_157 = arith.constant 0 : i32
        %dma_wait3A_158 = tpu.memref_slice %arg5[%add3A_69, %dma_wait3A_157] : memref<819200x128xf32, #tpu.memory_space<hbm>> -> memref<128x128xf32, #tpu.memory_space<hbm>>
        tpu.wait_dma2 semaphore(%arg20 : memref<!tpu.dma_semaphore, #tpu.memory_space<semaphore_mem>>) src(%arg12 : memref<128x128xf32, #tpu.memory_space<vmem>>) dst(%dma_wait3A_158 : memref<128x128xf32, #tpu.memory_space<hbm>>)
      } else {
      }
      %add3A_72 = arith.constant 0 : i32
      %add3A_73 = arith.addi %mul3A_49, %add3A_72 : i32
      %dma_start3A = arith.constant 0 : i32
      %dma_start3A_74 = tpu.memref_slice %arg7[%add3A_73, %dma_start3A] : memref<200x128xi32, #tpu.memory_space<vmem>> -> memref<1x128xi32, #tpu.memory_space<vmem>>
      %dma_start3A_75 = tpu.memref_squeeze %dma_start3A_74 : memref<1x128xi32, #tpu.memory_space<vmem>> -> memref<128xi32, #tpu.memory_space<vmem>>
      %dma_start3A_76 = arith.constant 0 : i32
      %dma_start3A_77 = arith.constant 0 : i32
      %dma_start3A_78 = tpu.memref_slice %arg2[%dma_start3A_76, %dma_start3A_77] : memref<1000000x128xf32, #tpu.memory_space<hbm>> -> memref<1000000x128xf32, #tpu.memory_space<hbm>>
      tpu.enqueue_indirect_dma source(%dma_start3A_78 : memref<1000000x128xf32, #tpu.memory_space<hbm>>) target(%arg9 : memref<128x128xf32, #tpu.memory_space<vmem>>) offsets(%dma_start3A_75 : memref<128xi32, #tpu.memory_space<vmem>>) semaphore(%arg13 : memref<!tpu.dma_semaphore, #tpu.memory_space<semaphore_mem>>)
      %add3A_79 = arith.constant 1 : i32
      %add3A_80 = arith.addi %mul3A_49, %add3A_79 : i32
      %dma_start3A_81 = arith.constant 0 : i32
      %dma_start3A_82 = tpu.memref_slice %arg7[%add3A_80, %dma_start3A_81] : memref<200x128xi32, #tpu.memory_space<vmem>> -> memref<1x128xi32, #tpu.memory_space<vmem>>
      %dma_start3A_83 = tpu.memref_squeeze %dma_start3A_82 : memref<1x128xi32, #tpu.memory_space<vmem>> -> memref<128xi32, #tpu.memory_space<vmem>>
      %dma_start3A_84 = arith.constant 0 : i32
      %dma_start3A_85 = arith.constant 0 : i32
      %dma_start3A_86 = tpu.memref_slice %arg2[%dma_start3A_84, %dma_start3A_85] : memref<1000000x128xf32, #tpu.memory_space<hbm>> -> memref<1000000x128xf32, #tpu.memory_space<hbm>>
      tpu.enqueue_indirect_dma source(%dma_start3A_86 : memref<1000000x128xf32, #tpu.memory_space<hbm>>) target(%arg10 : memref<128x128xf32, #tpu.memory_space<vmem>>) offsets(%dma_start3A_83 : memref<128xi32, #tpu.memory_space<vmem>>) semaphore(%arg14 : memref<!tpu.dma_semaphore, #tpu.memory_space<semaphore_mem>>)
      %add3A_87 = arith.constant 2 : i32
      %add3A_88 = arith.addi %mul3A_49, %add3A_87 : i32
      %dma_start3A_89 = arith.constant 0 : i32
      %dma_start3A_90 = tpu.memref_slice %arg7[%add3A_88, %dma_start3A_89] : memref<200x128xi32, #tpu.memory_space<vmem>> -> memref<1x128xi32, #tpu.memory_space<vmem>>
      %dma_start3A_91 = tpu.memref_squeeze %dma_start3A_90 : memref<1x128xi32, #tpu.memory_space<vmem>> -> memref<128xi32, #tpu.memory_space<vmem>>
      %dma_start3A_92 = arith.constant 0 : i32
      %dma_start3A_93 = arith.constant 0 : i32
      %dma_start3A_94 = tpu.memref_slice %arg2[%dma_start3A_92, %dma_start3A_93] : memref<1000000x128xf32, #tpu.memory_space<hbm>> -> memref<1000000x128xf32, #tpu.memory_space<hbm>>
      tpu.enqueue_indirect_dma source(%dma_start3A_94 : memref<1000000x128xf32, #tpu.memory_space<hbm>>) target(%arg11 : memref<128x128xf32, #tpu.memory_space<vmem>>) offsets(%dma_start3A_91 : memref<128xi32, #tpu.memory_space<vmem>>) semaphore(%arg15 : memref<!tpu.dma_semaphore, #tpu.memory_space<semaphore_mem>>)
      %add3A_95 = arith.constant 3 : i32
      %add3A_96 = arith.addi %mul3A_49, %add3A_95 : i32
      %dma_start3A_97 = arith.constant 0 : i32
      %dma_start3A_98 = tpu.memref_slice %arg7[%add3A_96, %dma_start3A_97] : memref<200x128xi32, #tpu.memory_space<vmem>> -> memref<1x128xi32, #tpu.memory_space<vmem>>
      %dma_start3A_99 = tpu.memref_squeeze %dma_start3A_98 : memref<1x128xi32, #tpu.memory_space<vmem>> -> memref<128xi32, #tpu.memory_space<vmem>>
      %dma_start3A_100 = arith.constant 0 : i32
      %dma_start3A_101 = arith.constant 0 : i32
      %dma_start3A_102 = tpu.memref_slice %arg2[%dma_start3A_100, %dma_start3A_101] : memref<1000000x128xf32, #tpu.memory_space<hbm>> -> memref<1000000x128xf32, #tpu.memory_space<hbm>>
      tpu.enqueue_indirect_dma source(%dma_start3A_102 : memref<1000000x128xf32, #tpu.memory_space<hbm>>) target(%arg12 : memref<128x128xf32, #tpu.memory_space<vmem>>) offsets(%dma_start3A_99 : memref<128xi32, #tpu.memory_space<vmem>>) semaphore(%arg16 : memref<!tpu.dma_semaphore, #tpu.memory_space<semaphore_mem>>)
      %dma_wait3A_103 = arith.constant 0 : i32
      %dma_wait3A_104 = tpu.memref_slice %arg7[%add3A_73, %dma_wait3A_103] : memref<200x128xi32, #tpu.memory_space<vmem>> -> memref<1x128xi32, #tpu.memory_space<vmem>>
      %dma_wait3A_105 = tpu.memref_squeeze %dma_wait3A_104 : memref<1x128xi32, #tpu.memory_space<vmem>> -> memref<128xi32, #tpu.memory_space<vmem>>
      %dma_wait3A_106 = arith.constant 0 : i32
      %dma_wait3A_107 = arith.constant 0 : i32
      %dma_wait3A_108 = tpu.memref_slice %arg2[%dma_wait3A_106, %dma_wait3A_107] : memref<1000000x128xf32, #tpu.memory_space<hbm>> -> memref<1000000x128xf32, #tpu.memory_space<hbm>>
      tpu.wait_indirect_dma semaphore(%arg13 : memref<!tpu.dma_semaphore, #tpu.memory_space<semaphore_mem>>) src(%dma_wait3A_108 : memref<1000000x128xf32, #tpu.memory_space<hbm>>) dst(%arg9 : memref<128x128xf32, #tpu.memory_space<vmem>>)
      %dma_start3A_109 = arith.constant 0 : i32
      %dma_start3A_110 = tpu.memref_slice %arg5[%add3A_54, %dma_start3A_109] : memref<819200x128xf32, #tpu.memory_space<hbm>> -> memref<128x128xf32, #tpu.memory_space<hbm>>
      %dma_start3A_111 = arith.constant 0 : i32
      %dma_start3A_112 = tpu.memref_slice %arg5[%add3A_54, %dma_start3A_111] : memref<819200x128xf32, #tpu.memory_space<hbm>> -> memref<128x128xf32, #tpu.memory_space<hbm>>
      tpu.enqueue_dma source(%arg9 : memref<128x128xf32, #tpu.memory_space<vmem>>) target(%dma_start3A_112 : memref<128x128xf32, #tpu.memory_space<hbm>>) target_semaphore(%arg17 : memref<!tpu.dma_semaphore, #tpu.memory_space<semaphore_mem>>)
      %dma_wait3A_113 = arith.constant 0 : i32
      %dma_wait3A_114 = tpu.memref_slice %arg7[%add3A_80, %dma_wait3A_113] : memref<200x128xi32, #tpu.memory_space<vmem>> -> memref<1x128xi32, #tpu.memory_space<vmem>>
      %dma_wait3A_115 = tpu.memref_squeeze %dma_wait3A_114 : memref<1x128xi32, #tpu.memory_space<vmem>> -> memref<128xi32, #tpu.memory_space<vmem>>
      %dma_wait3A_116 = arith.constant 0 : i32
      %dma_wait3A_117 = arith.constant 0 : i32
      %dma_wait3A_118 = tpu.memref_slice %arg2[%dma_wait3A_116, %dma_wait3A_117] : memref<1000000x128xf32, #tpu.memory_space<hbm>> -> memref<1000000x128xf32, #tpu.memory_space<hbm>>
      tpu.wait_indirect_dma semaphore(%arg14 : memref<!tpu.dma_semaphore, #tpu.memory_space<semaphore_mem>>) src(%dma_wait3A_118 : memref<1000000x128xf32, #tpu.memory_space<hbm>>) dst(%arg10 : memref<128x128xf32, #tpu.memory_space<vmem>>)
      %dma_start3A_119 = arith.constant 0 : i32
      %dma_start3A_120 = tpu.memref_slice %arg5[%add3A_59, %dma_start3A_119] : memref<819200x128xf32, #tpu.memory_space<hbm>> -> memref<128x128xf32, #tpu.memory_space<hbm>>
      %dma_start3A_121 = arith.constant 0 : i32
      %dma_start3A_122 = tpu.memref_slice %arg5[%add3A_59, %dma_start3A_121] : memref<819200x128xf32, #tpu.memory_space<hbm>> -> memref<128x128xf32, #tpu.memory_space<hbm>>
      tpu.enqueue_dma source(%arg10 : memref<128x128xf32, #tpu.memory_space<vmem>>) target(%dma_start3A_122 : memref<128x128xf32, #tpu.memory_space<hbm>>) target_semaphore(%arg18 : memref<!tpu.dma_semaphore, #tpu.memory_space<semaphore_mem>>)
      %dma_wait3A_123 = arith.constant 0 : i32
      %dma_wait3A_124 = tpu.memref_slice %arg7[%add3A_88, %dma_wait3A_123] : memref<200x128xi32, #tpu.memory_space<vmem>> -> memref<1x128xi32, #tpu.memory_space<vmem>>
      %dma_wait3A_125 = tpu.memref_squeeze %dma_wait3A_124 : memref<1x128xi32, #tpu.memory_space<vmem>> -> memref<128xi32, #tpu.memory_space<vmem>>
      %dma_wait3A_126 = arith.constant 0 : i32
      %dma_wait3A_127 = arith.constant 0 : i32
      %dma_wait3A_128 = tpu.memref_slice %arg2[%dma_wait3A_126, %dma_wait3A_127] : memref<1000000x128xf32, #tpu.memory_space<hbm>> -> memref<1000000x128xf32, #tpu.memory_space<hbm>>
      tpu.wait_indirect_dma semaphore(%arg15 : memref<!tpu.dma_semaphore, #tpu.memory_space<semaphore_mem>>) src(%dma_wait3A_128 : memref<1000000x128xf32, #tpu.memory_space<hbm>>) dst(%arg11 : memref<128x128xf32, #tpu.memory_space<vmem>>)
      %dma_start3A_129 = arith.constant 0 : i32
      %dma_start3A_130 = tpu.memref_slice %arg5[%add3A_64, %dma_start3A_129] : memref<819200x128xf32, #tpu.memory_space<hbm>> -> memref<128x128xf32, #tpu.memory_space<hbm>>
      %dma_start3A_131 = arith.constant 0 : i32
      %dma_start3A_132 = tpu.memref_slice %arg5[%add3A_64, %dma_start3A_131] : memref<819200x128xf32, #tpu.memory_space<hbm>> -> memref<128x128xf32, #tpu.memory_space<hbm>>
      tpu.enqueue_dma source(%arg11 : memref<128x128xf32, #tpu.memory_space<vmem>>) target(%dma_start3A_132 : memref<128x128xf32, #tpu.memory_space<hbm>>) target_semaphore(%arg19 : memref<!tpu.dma_semaphore, #tpu.memory_space<semaphore_mem>>)
      %dma_wait3A_133 = arith.constant 0 : i32
      %dma_wait3A_134 = tpu.memref_slice %arg7[%add3A_96, %dma_wait3A_133] : memref<200x128xi32, #tpu.memory_space<vmem>> -> memref<1x128xi32, #tpu.memory_space<vmem>>
      %dma_wait3A_135 = tpu.memref_squeeze %dma_wait3A_134 : memref<1x128xi32, #tpu.memory_space<vmem>> -> memref<128xi32, #tpu.memory_space<vmem>>
      %dma_wait3A_136 = arith.constant 0 : i32
      %dma_wait3A_137 = arith.constant 0 : i32
      %dma_wait3A_138 = tpu.memref_slice %arg2[%dma_wait3A_136, %dma_wait3A_137] : memref<1000000x128xf32, #tpu.memory_space<hbm>> -> memref<1000000x128xf32, #tpu.memory_space<hbm>>
      tpu.wait_indirect_dma semaphore(%arg16 : memref<!tpu.dma_semaphore, #tpu.memory_space<semaphore_mem>>) src(%dma_wait3A_138 : memref<1000000x128xf32, #tpu.memory_space<hbm>>) dst(%arg12 : memref<128x128xf32, #tpu.memory_space<vmem>>)
      %dma_start3A_139 = arith.constant 0 : i32
      %dma_start3A_140 = tpu.memref_slice %arg5[%add3A_69, %dma_start3A_139] : memref<819200x128xf32, #tpu.memory_space<hbm>> -> memref<128x128xf32, #tpu.memory_space<hbm>>
      %dma_start3A_141 = arith.constant 0 : i32
      %dma_start3A_142 = tpu.memref_slice %arg5[%add3A_69, %dma_start3A_141] : memref<819200x128xf32, #tpu.memory_space<hbm>> -> memref<128x128xf32, #tpu.memory_space<hbm>>
      tpu.enqueue_dma source(%arg12 : memref<128x128xf32, #tpu.memory_space<vmem>>) target(%dma_start3A_142 : memref<128x128xf32, #tpu.memory_space<hbm>>) target_semaphore(%arg20 : memref<!tpu.dma_semaphore, #tpu.memory_space<semaphore_mem>>)
    }
    %scan3A_9 = arith.constant 50 : i32
    %dma_wait3A = arith.constant 0 : i32
    %dma_wait3A_10 = tpu.memref_slice %arg5[%mul3A_2, %dma_wait3A] : memref<819200x128xf32, #tpu.memory_space<hbm>> -> memref<128x128xf32, #tpu.memory_space<hbm>>
    %dma_wait3A_11 = arith.constant 0 : i32
    %dma_wait3A_12 = tpu.memref_slice %arg5[%mul3A_2, %dma_wait3A_11] : memref<819200x128xf32, #tpu.memory_space<hbm>> -> memref<128x128xf32, #tpu.memory_space<hbm>>
    tpu.wait_dma2 semaphore(%arg17 : memref<!tpu.dma_semaphore, #tpu.memory_space<semaphore_mem>>) src(%arg9 : memref<128x128xf32, #tpu.memory_space<vmem>>) dst(%dma_wait3A_12 : memref<128x128xf32, #tpu.memory_space<hbm>>)
    %dma_wait3A_13 = arith.constant 0 : i32
    %dma_wait3A_14 = tpu.memref_slice %arg5[%mul3A_2, %dma_wait3A_13] : memref<819200x128xf32, #tpu.memory_space<hbm>> -> memref<128x128xf32, #tpu.memory_space<hbm>>
    %dma_wait3A_15 = arith.constant 0 : i32
    %dma_wait3A_16 = tpu.memref_slice %arg5[%mul3A_2, %dma_wait3A_15] : memref<819200x128xf32, #tpu.memory_space<hbm>> -> memref<128x128xf32, #tpu.memory_space<hbm>>
    tpu.wait_dma2 semaphore(%arg18 : memref<!tpu.dma_semaphore, #tpu.memory_space<semaphore_mem>>) src(%arg10 : memref<128x128xf32, #tpu.memory_space<vmem>>) dst(%dma_wait3A_16 : memref<128x128xf32, #tpu.memory_space<hbm>>)
    %dma_wait3A_17 = arith.constant 0 : i32
    %dma_wait3A_18 = tpu.memref_slice %arg5[%mul3A_2, %dma_wait3A_17] : memref<819200x128xf32, #tpu.memory_space<hbm>> -> memref<128x128xf32, #tpu.memory_space<hbm>>
    %dma_wait3A_19 = arith.constant 0 : i32
    %dma_wait3A_20 = tpu.memref_slice %arg5[%mul3A_2, %dma_wait3A_19] : memref<819200x128xf32, #tpu.memory_space<hbm>> -> memref<128x128xf32, #tpu.memory_space<hbm>>
    tpu.wait_dma2 semaphore(%arg19 : memref<!tpu.dma_semaphore, #tpu.memory_space<semaphore_mem>>) src(%arg11 : memref<128x128xf32, #tpu.memory_space<vmem>>) dst(%dma_wait3A_20 : memref<128x128xf32, #tpu.memory_space<hbm>>)
    %dma_wait3A_21 = arith.constant 0 : i32
    %dma_wait3A_22 = tpu.memref_slice %arg5[%mul3A_2, %dma_wait3A_21] : memref<819200x128xf32, #tpu.memory_space<hbm>> -> memref<128x128xf32, #tpu.memory_space<hbm>>
    %dma_wait3A_23 = arith.constant 0 : i32
    %dma_wait3A_24 = tpu.memref_slice %arg5[%mul3A_2, %dma_wait3A_23] : memref<819200x128xf32, #tpu.memory_space<hbm>> -> memref<128x128xf32, #tpu.memory_space<hbm>>
    tpu.wait_dma2 semaphore(%arg20 : memref<!tpu.dma_semaphore, #tpu.memory_space<semaphore_mem>>) src(%arg12 : memref<128x128xf32, #tpu.memory_space<vmem>>) dst(%dma_wait3A_24 : memref<128x128xf32, #tpu.memory_space<hbm>>)
    %scan3A_25 = arith.constant 0 : i32
    %scan3A_26 = arith.constant 0 : i32
    %scan3A_27 = arith.constant 5 : i32
    %scan3A_28 = arith.addi %scan3A_26, %scan3A_27 : i32
    %scan3A_29 = arith.constant 1 : i32
    scf.for %scan3A_47 = %scan3A_26 to %scan3A_28 step %scan3A_29  : i32 {
      %mul3A_48 = arith.constant 4 : i32
      %mul3A_49 = arith.muli %mul3A_48, %scan3A_47 : i32
      %add3A_50 = arith.constant 0 : i32
      %add3A_51 = arith.addi %mul3A_49, %add3A_50 : i32
      %mul3A_52 = arith.constant 128 : i32
      %mul3A_53 = arith.muli %add3A_51, %mul3A_52 : i32
      %add3A_54 = arith.addi %mul3A_4, %mul3A_53 : i32
      %add3A_55 = arith.constant 1 : i32
      %add3A_56 = arith.addi %mul3A_49, %add3A_55 : i32
      %mul3A_57 = arith.constant 128 : i32
      %mul3A_58 = arith.muli %add3A_56, %mul3A_57 : i32
      %add3A_59 = arith.addi %mul3A_4, %mul3A_58 : i32
      %add3A_60 = arith.constant 2 : i32
      %add3A_61 = arith.addi %mul3A_49, %add3A_60 : i32
      %mul3A_62 = arith.constant 128 : i32
      %mul3A_63 = arith.muli %add3A_61, %mul3A_62 : i32
      %add3A_64 = arith.addi %mul3A_4, %mul3A_63 : i32
      %add3A_65 = arith.constant 3 : i32
      %add3A_66 = arith.addi %mul3A_49, %add3A_65 : i32
      %mul3A_67 = arith.constant 128 : i32
      %mul3A_68 = arith.muli %add3A_66, %mul3A_67 : i32
      %add3A_69 = arith.addi %mul3A_4, %mul3A_68 : i32
      %gt3A = arith.constant 0 : i32
      %gt3A_70 = arith.cmpi sgt, %scan3A_47, %gt3A : i32
      %convert_element_type3A = arith.extui %gt3A_70 : i1 to i32
      %cond3A = arith.constant 0 : i32
      %cond3A_71 = arith.cmpi ne, %convert_element_type3A, %cond3A : i32
      scf.if %cond3A_71 {
        %dma_wait3A_143 = arith.constant 0 : i32
        %dma_wait3A_144 = tpu.memref_slice %arg6[%add3A_54, %dma_wait3A_143] : memref<81920x128xf32, #tpu.memory_space<hbm>> -> memref<128x128xf32, #tpu.memory_space<hbm>>
        %dma_wait3A_145 = arith.constant 0 : i32
        %dma_wait3A_146 = tpu.memref_slice %arg6[%add3A_54, %dma_wait3A_145] : memref<81920x128xf32, #tpu.memory_space<hbm>> -> memref<128x128xf32, #tpu.memory_space<hbm>>
        tpu.wait_dma2 semaphore(%arg17 : memref<!tpu.dma_semaphore, #tpu.memory_space<semaphore_mem>>) src(%arg9 : memref<128x128xf32, #tpu.memory_space<vmem>>) dst(%dma_wait3A_146 : memref<128x128xf32, #tpu.memory_space<hbm>>)
        %dma_wait3A_147 = arith.constant 0 : i32
        %dma_wait3A_148 = tpu.memref_slice %arg6[%add3A_59, %dma_wait3A_147] : memref<81920x128xf32, #tpu.memory_space<hbm>> -> memref<128x128xf32, #tpu.memory_space<hbm>>
        %dma_wait3A_149 = arith.constant 0 : i32
        %dma_wait3A_150 = tpu.memref_slice %arg6[%add3A_59, %dma_wait3A_149] : memref<81920x128xf32, #tpu.memory_space<hbm>> -> memref<128x128xf32, #tpu.memory_space<hbm>>
        tpu.wait_dma2 semaphore(%arg18 : memref<!tpu.dma_semaphore, #tpu.memory_space<semaphore_mem>>) src(%arg10 : memref<128x128xf32, #tpu.memory_space<vmem>>) dst(%dma_wait3A_150 : memref<128x128xf32, #tpu.memory_space<hbm>>)
        %dma_wait3A_151 = arith.constant 0 : i32
        %dma_wait3A_152 = tpu.memref_slice %arg6[%add3A_64, %dma_wait3A_151] : memref<81920x128xf32, #tpu.memory_space<hbm>> -> memref<128x128xf32, #tpu.memory_space<hbm>>
        %dma_wait3A_153 = arith.constant 0 : i32
        %dma_wait3A_154 = tpu.memref_slice %arg6[%add3A_64, %dma_wait3A_153] : memref<81920x128xf32, #tpu.memory_space<hbm>> -> memref<128x128xf32, #tpu.memory_space<hbm>>
        tpu.wait_dma2 semaphore(%arg19 : memref<!tpu.dma_semaphore, #tpu.memory_space<semaphore_mem>>) src(%arg11 : memref<128x128xf32, #tpu.memory_space<vmem>>) dst(%dma_wait3A_154 : memref<128x128xf32, #tpu.memory_space<hbm>>)
        %dma_wait3A_155 = arith.constant 0 : i32
        %dma_wait3A_156 = tpu.memref_slice %arg6[%add3A_69, %dma_wait3A_155] : memref<81920x128xf32, #tpu.memory_space<hbm>> -> memref<128x128xf32, #tpu.memory_space<hbm>>
        %dma_wait3A_157 = arith.constant 0 : i32
        %dma_wait3A_158 = tpu.memref_slice %arg6[%add3A_69, %dma_wait3A_157] : memref<81920x128xf32, #tpu.memory_space<hbm>> -> memref<128x128xf32, #tpu.memory_space<hbm>>
        tpu.wait_dma2 semaphore(%arg20 : memref<!tpu.dma_semaphore, #tpu.memory_space<semaphore_mem>>) src(%arg12 : memref<128x128xf32, #tpu.memory_space<vmem>>) dst(%dma_wait3A_158 : memref<128x128xf32, #tpu.memory_space<hbm>>)
      } else {
      }
      %add3A_72 = arith.constant 0 : i32
      %add3A_73 = arith.addi %mul3A_49, %add3A_72 : i32
      %dma_start3A = arith.constant 0 : i32
      %dma_start3A_74 = tpu.memref_slice %arg8[%add3A_73, %dma_start3A] : memref<20x128xi32, #tpu.memory_space<vmem>> -> memref<1x128xi32, #tpu.memory_space<vmem>>
      %dma_start3A_75 = tpu.memref_squeeze %dma_start3A_74 : memref<1x128xi32, #tpu.memory_space<vmem>> -> memref<128xi32, #tpu.memory_space<vmem>>
      %dma_start3A_76 = arith.constant 0 : i32
      %dma_start3A_77 = arith.constant 0 : i32
      %dma_start3A_78 = tpu.memref_slice %arg2[%dma_start3A_76, %dma_start3A_77] : memref<1000000x128xf32, #tpu.memory_space<hbm>> -> memref<1000000x128xf32, #tpu.memory_space<hbm>>
      tpu.enqueue_indirect_dma source(%dma_start3A_78 : memref<1000000x128xf32, #tpu.memory_space<hbm>>) target(%arg9 : memref<128x128xf32, #tpu.memory_space<vmem>>) offsets(%dma_start3A_75 : memref<128xi32, #tpu.memory_space<vmem>>) semaphore(%arg13 : memref<!tpu.dma_semaphore, #tpu.memory_space<semaphore_mem>>)
      %add3A_79 = arith.constant 1 : i32
      %add3A_80 = arith.addi %mul3A_49, %add3A_79 : i32
      %dma_start3A_81 = arith.constant 0 : i32
      %dma_start3A_82 = tpu.memref_slice %arg8[%add3A_80, %dma_start3A_81] : memref<20x128xi32, #tpu.memory_space<vmem>> -> memref<1x128xi32, #tpu.memory_space<vmem>>
      %dma_start3A_83 = tpu.memref_squeeze %dma_start3A_82 : memref<1x128xi32, #tpu.memory_space<vmem>> -> memref<128xi32, #tpu.memory_space<vmem>>
      %dma_start3A_84 = arith.constant 0 : i32
      %dma_start3A_85 = arith.constant 0 : i32
      %dma_start3A_86 = tpu.memref_slice %arg2[%dma_start3A_84, %dma_start3A_85] : memref<1000000x128xf32, #tpu.memory_space<hbm>> -> memref<1000000x128xf32, #tpu.memory_space<hbm>>
      tpu.enqueue_indirect_dma source(%dma_start3A_86 : memref<1000000x128xf32, #tpu.memory_space<hbm>>) target(%arg10 : memref<128x128xf32, #tpu.memory_space<vmem>>) offsets(%dma_start3A_83 : memref<128xi32, #tpu.memory_space<vmem>>) semaphore(%arg14 : memref<!tpu.dma_semaphore, #tpu.memory_space<semaphore_mem>>)
      %add3A_87 = arith.constant 2 : i32
      %add3A_88 = arith.addi %mul3A_49, %add3A_87 : i32
      %dma_start3A_89 = arith.constant 0 : i32
      %dma_start3A_90 = tpu.memref_slice %arg8[%add3A_88, %dma_start3A_89] : memref<20x128xi32, #tpu.memory_space<vmem>> -> memref<1x128xi32, #tpu.memory_space<vmem>>
      %dma_start3A_91 = tpu.memref_squeeze %dma_start3A_90 : memref<1x128xi32, #tpu.memory_space<vmem>> -> memref<128xi32, #tpu.memory_space<vmem>>
      %dma_start3A_92 = arith.constant 0 : i32
      %dma_start3A_93 = arith.constant 0 : i32
      %dma_start3A_94 = tpu.memref_slice %arg2[%dma_start3A_92, %dma_start3A_93] : memref<1000000x128xf32, #tpu.memory_space<hbm>> -> memref<1000000x128xf32, #tpu.memory_space<hbm>>
      tpu.enqueue_indirect_dma source(%dma_start3A_94 : memref<1000000x128xf32, #tpu.memory_space<hbm>>) target(%arg11 : memref<128x128xf32, #tpu.memory_space<vmem>>) offsets(%dma_start3A_91 : memref<128xi32, #tpu.memory_space<vmem>>) semaphore(%arg15 : memref<!tpu.dma_semaphore, #tpu.memory_space<semaphore_mem>>)
      %add3A_95 = arith.constant 3 : i32
      %add3A_96 = arith.addi %mul3A_49, %add3A_95 : i32
      %dma_start3A_97 = arith.constant 0 : i32
      %dma_start3A_98 = tpu.memref_slice %arg8[%add3A_96, %dma_start3A_97] : memref<20x128xi32, #tpu.memory_space<vmem>> -> memref<1x128xi32, #tpu.memory_space<vmem>>
      %dma_start3A_99 = tpu.memref_squeeze %dma_start3A_98 : memref<1x128xi32, #tpu.memory_space<vmem>> -> memref<128xi32, #tpu.memory_space<vmem>>
      %dma_start3A_100 = arith.constant 0 : i32
      %dma_start3A_101 = arith.constant 0 : i32
      %dma_start3A_102 = tpu.memref_slice %arg2[%dma_start3A_100, %dma_start3A_101] : memref<1000000x128xf32, #tpu.memory_space<hbm>> -> memref<1000000x128xf32, #tpu.memory_space<hbm>>
      tpu.enqueue_indirect_dma source(%dma_start3A_102 : memref<1000000x128xf32, #tpu.memory_space<hbm>>) target(%arg12 : memref<128x128xf32, #tpu.memory_space<vmem>>) offsets(%dma_start3A_99 : memref<128xi32, #tpu.memory_space<vmem>>) semaphore(%arg16 : memref<!tpu.dma_semaphore, #tpu.memory_space<semaphore_mem>>)
      %dma_wait3A_103 = arith.constant 0 : i32
      %dma_wait3A_104 = tpu.memref_slice %arg8[%add3A_73, %dma_wait3A_103] : memref<20x128xi32, #tpu.memory_space<vmem>> -> memref<1x128xi32, #tpu.memory_space<vmem>>
      %dma_wait3A_105 = tpu.memref_squeeze %dma_wait3A_104 : memref<1x128xi32, #tpu.memory_space<vmem>> -> memref<128xi32, #tpu.memory_space<vmem>>
      %dma_wait3A_106 = arith.constant 0 : i32
      %dma_wait3A_107 = arith.constant 0 : i32
      %dma_wait3A_108 = tpu.memref_slice %arg2[%dma_wait3A_106, %dma_wait3A_107] : memref<1000000x128xf32, #tpu.memory_space<hbm>> -> memref<1000000x128xf32, #tpu.memory_space<hbm>>
      tpu.wait_indirect_dma semaphore(%arg13 : memref<!tpu.dma_semaphore, #tpu.memory_space<semaphore_mem>>) src(%dma_wait3A_108 : memref<1000000x128xf32, #tpu.memory_space<hbm>>) dst(%arg9 : memref<128x128xf32, #tpu.memory_space<vmem>>)
      %dma_start3A_109 = arith.constant 0 : i32
      %dma_start3A_110 = tpu.memref_slice %arg6[%add3A_54, %dma_start3A_109] : memref<81920x128xf32, #tpu.memory_space<hbm>> -> memref<128x128xf32, #tpu.memory_space<hbm>>
      %dma_start3A_111 = arith.constant 0 : i32
      %dma_start3A_112 = tpu.memref_slice %arg6[%add3A_54, %dma_start3A_111] : memref<81920x128xf32, #tpu.memory_space<hbm>> -> memref<128x128xf32, #tpu.memory_space<hbm>>
      tpu.enqueue_dma source(%arg9 : memref<128x128xf32, #tpu.memory_space<vmem>>) target(%dma_start3A_112 : memref<128x128xf32, #tpu.memory_space<hbm>>) target_semaphore(%arg17 : memref<!tpu.dma_semaphore, #tpu.memory_space<semaphore_mem>>)
      %dma_wait3A_113 = arith.constant 0 : i32
      %dma_wait3A_114 = tpu.memref_slice %arg8[%add3A_80, %dma_wait3A_113] : memref<20x128xi32, #tpu.memory_space<vmem>> -> memref<1x128xi32, #tpu.memory_space<vmem>>
      %dma_wait3A_115 = tpu.memref_squeeze %dma_wait3A_114 : memref<1x128xi32, #tpu.memory_space<vmem>> -> memref<128xi32, #tpu.memory_space<vmem>>
      %dma_wait3A_116 = arith.constant 0 : i32
      %dma_wait3A_117 = arith.constant 0 : i32
      %dma_wait3A_118 = tpu.memref_slice %arg2[%dma_wait3A_116, %dma_wait3A_117] : memref<1000000x128xf32, #tpu.memory_space<hbm>> -> memref<1000000x128xf32, #tpu.memory_space<hbm>>
      tpu.wait_indirect_dma semaphore(%arg14 : memref<!tpu.dma_semaphore, #tpu.memory_space<semaphore_mem>>) src(%dma_wait3A_118 : memref<1000000x128xf32, #tpu.memory_space<hbm>>) dst(%arg10 : memref<128x128xf32, #tpu.memory_space<vmem>>)
      %dma_start3A_119 = arith.constant 0 : i32
      %dma_start3A_120 = tpu.memref_slice %arg6[%add3A_59, %dma_start3A_119] : memref<81920x128xf32, #tpu.memory_space<hbm>> -> memref<128x128xf32, #tpu.memory_space<hbm>>
      %dma_start3A_121 = arith.constant 0 : i32
      %dma_start3A_122 = tpu.memref_slice %arg6[%add3A_59, %dma_start3A_121] : memref<81920x128xf32, #tpu.memory_space<hbm>> -> memref<128x128xf32, #tpu.memory_space<hbm>>
      tpu.enqueue_dma source(%arg10 : memref<128x128xf32, #tpu.memory_space<vmem>>) target(%dma_start3A_122 : memref<128x128xf32, #tpu.memory_space<hbm>>) target_semaphore(%arg18 : memref<!tpu.dma_semaphore, #tpu.memory_space<semaphore_mem>>)
      %dma_wait3A_123 = arith.constant 0 : i32
      %dma_wait3A_124 = tpu.memref_slice %arg8[%add3A_88, %dma_wait3A_123] : memref<20x128xi32, #tpu.memory_space<vmem>> -> memref<1x128xi32, #tpu.memory_space<vmem>>
      %dma_wait3A_125 = tpu.memref_squeeze %dma_wait3A_124 : memref<1x128xi32, #tpu.memory_space<vmem>> -> memref<128xi32, #tpu.memory_space<vmem>>
      %dma_wait3A_126 = arith.constant 0 : i32
      %dma_wait3A_127 = arith.constant 0 : i32
      %dma_wait3A_128 = tpu.memref_slice %arg2[%dma_wait3A_126, %dma_wait3A_127] : memref<1000000x128xf32, #tpu.memory_space<hbm>> -> memref<1000000x128xf32, #tpu.memory_space<hbm>>
      tpu.wait_indirect_dma semaphore(%arg15 : memref<!tpu.dma_semaphore, #tpu.memory_space<semaphore_mem>>) src(%dma_wait3A_128 : memref<1000000x128xf32, #tpu.memory_space<hbm>>) dst(%arg11 : memref<128x128xf32, #tpu.memory_space<vmem>>)
      %dma_start3A_129 = arith.constant 0 : i32
      %dma_start3A_130 = tpu.memref_slice %arg6[%add3A_64, %dma_start3A_129] : memref<81920x128xf32, #tpu.memory_space<hbm>> -> memref<128x128xf32, #tpu.memory_space<hbm>>
      %dma_start3A_131 = arith.constant 0 : i32
      %dma_start3A_132 = tpu.memref_slice %arg6[%add3A_64, %dma_start3A_131] : memref<81920x128xf32, #tpu.memory_space<hbm>> -> memref<128x128xf32, #tpu.memory_space<hbm>>
      tpu.enqueue_dma source(%arg11 : memref<128x128xf32, #tpu.memory_space<vmem>>) target(%dma_start3A_132 : memref<128x128xf32, #tpu.memory_space<hbm>>) target_semaphore(%arg19 : memref<!tpu.dma_semaphore, #tpu.memory_space<semaphore_mem>>)
      %dma_wait3A_133 = arith.constant 0 : i32
      %dma_wait3A_134 = tpu.memref_slice %arg8[%add3A_96, %dma_wait3A_133] : memref<20x128xi32, #tpu.memory_space<vmem>> -> memref<1x128xi32, #tpu.memory_space<vmem>>
      %dma_wait3A_135 = tpu.memref_squeeze %dma_wait3A_134 : memref<1x128xi32, #tpu.memory_space<vmem>> -> memref<128xi32, #tpu.memory_space<vmem>>
      %dma_wait3A_136 = arith.constant 0 : i32
      %dma_wait3A_137 = arith.constant 0 : i32
      %dma_wait3A_138 = tpu.memref_slice %arg2[%dma_wait3A_136, %dma_wait3A_137] : memref<1000000x128xf32, #tpu.memory_space<hbm>> -> memref<1000000x128xf32, #tpu.memory_space<hbm>>
      tpu.wait_indirect_dma semaphore(%arg16 : memref<!tpu.dma_semaphore, #tpu.memory_space<semaphore_mem>>) src(%dma_wait3A_138 : memref<1000000x128xf32, #tpu.memory_space<hbm>>) dst(%arg12 : memref<128x128xf32, #tpu.memory_space<vmem>>)
      %dma_start3A_139 = arith.constant 0 : i32
      %dma_start3A_140 = tpu.memref_slice %arg6[%add3A_69, %dma_start3A_139] : memref<81920x128xf32, #tpu.memory_space<hbm>> -> memref<128x128xf32, #tpu.memory_space<hbm>>
      %dma_start3A_141 = arith.constant 0 : i32
      %dma_start3A_142 = tpu.memref_slice %arg6[%add3A_69, %dma_start3A_141] : memref<81920x128xf32, #tpu.memory_space<hbm>> -> memref<128x128xf32, #tpu.memory_space<hbm>>
      tpu.enqueue_dma source(%arg12 : memref<128x128xf32, #tpu.memory_space<vmem>>) target(%dma_start3A_142 : memref<128x128xf32, #tpu.memory_space<hbm>>) target_semaphore(%arg20 : memref<!tpu.dma_semaphore, #tpu.memory_space<semaphore_mem>>)
    }
    %scan3A_30 = arith.constant 5 : i32
    %dma_wait3A_31 = arith.constant 0 : i32
    %dma_wait3A_32 = tpu.memref_slice %arg6[%mul3A_4, %dma_wait3A_31] : memref<81920x128xf32, #tpu.memory_space<hbm>> -> memref<128x128xf32, #tpu.memory_space<hbm>>
    %dma_wait3A_33 = arith.constant 0 : i32
    %dma_wait3A_34 = tpu.memref_slice %arg6[%mul3A_4, %dma_wait3A_33] : memref<81920x128xf32, #tpu.memory_space<hbm>> -> memref<128x128xf32, #tpu.memory_space<hbm>>
    tpu.wait_dma2 semaphore(%arg17 : memref<!tpu.dma_semaphore, #tpu.memory_space<semaphore_mem>>) src(%arg9 : memref<128x128xf32, #tpu.memory_space<vmem>>) dst(%dma_wait3A_34 : memref<128x128xf32, #tpu.memory_space<hbm>>)
    %dma_wait3A_35 = arith.constant 0 : i32
    %dma_wait3A_36 = tpu.memref_slice %arg6[%mul3A_4, %dma_wait3A_35] : memref<81920x128xf32, #tpu.memory_space<hbm>> -> memref<128x128xf32, #tpu.memory_space<hbm>>
    %dma_wait3A_37 = arith.constant 0 : i32
    %dma_wait3A_38 = tpu.memref_slice %arg6[%mul3A_4, %dma_wait3A_37] : memref<81920x128xf32, #tpu.memory_space<hbm>> -> memref<128x128xf32, #tpu.memory_space<hbm>>
    tpu.wait_dma2 semaphore(%arg18 : memref<!tpu.dma_semaphore, #tpu.memory_space<semaphore_mem>>) src(%arg10 : memref<128x128xf32, #tpu.memory_space<vmem>>) dst(%dma_wait3A_38 : memref<128x128xf32, #tpu.memory_space<hbm>>)
    %dma_wait3A_39 = arith.constant 0 : i32
    %dma_wait3A_40 = tpu.memref_slice %arg6[%mul3A_4, %dma_wait3A_39] : memref<81920x128xf32, #tpu.memory_space<hbm>> -> memref<128x128xf32, #tpu.memory_space<hbm>>
    %dma_wait3A_41 = arith.constant 0 : i32
    %dma_wait3A_42 = tpu.memref_slice %arg6[%mul3A_4, %dma_wait3A_41] : memref<81920x128xf32, #tpu.memory_space<hbm>> -> memref<128x128xf32, #tpu.memory_space<hbm>>
    tpu.wait_dma2 semaphore(%arg19 : memref<!tpu.dma_semaphore, #tpu.memory_space<semaphore_mem>>) src(%arg11 : memref<128x128xf32, #tpu.memory_space<vmem>>) dst(%dma_wait3A_42 : memref<128x128xf32, #tpu.memory_space<hbm>>)
    %dma_wait3A_43 = arith.constant 0 : i32
    %dma_wait3A_44 = tpu.memref_slice %arg6[%mul3A_4, %dma_wait3A_43] : memref<81920x128xf32, #tpu.memory_space<hbm>> -> memref<128x128xf32, #tpu.memory_space<hbm>>
    %dma_wait3A_45 = arith.constant 0 : i32
    %dma_wait3A_46 = tpu.memref_slice %arg6[%mul3A_4, %dma_wait3A_45] : memref<81920x128xf32, #tpu.memory_space<hbm>> -> memref<128x128xf32, #tpu.memory_space<hbm>>
    tpu.wait_dma2 semaphore(%arg20 : memref<!tpu.dma_semaphore, #tpu.memory_space<semaphore_mem>>) src(%arg12 : memref<128x128xf32, #tpu.memory_space<vmem>>) dst(%dma_wait3A_46 : memref<128x128xf32, #tpu.memory_space<hbm>>)
    return
  }
}

module attributes {stable_mosaic.version = 14 : i64} {
  func.func @_pad_block(%arg0: i32, %arg1: memref<10000x50xf32, #tpu.memory_space<vmem>>, %arg2: memref<10000x128xf32, #tpu.memory_space<vmem>>) attributes {dimension_semantics = [#tpu.dimension_semantics<arbitrary>], iteration_bounds = array<i64: 100>, scalar_prefetch = 0 : i64, scratch_operands = 0 : i64, tpu.core_type = #tpu.core_type<tc>, window_params = [{transform_indices = @transform_0, window_bounds = array<i64: 10000, 50>}, {transform_indices = @transform_1, window_bounds = array<i64: 10000, 128>}]} {
    %get3A = arith.constant 0 : index
    %get3A_0 = arith.constant 0 : index
    %get3A_1 = vector.load %arg1[%get3A, %get3A_0] : memref<10000x50xf32, #tpu.memory_space<vmem>>, vector<10000x50xf32>
    %swap3A = arith.constant 0 : index
    %swap3A_2 = arith.constant 0 : index
    %swap3A_3 = vector.load %arg2[%swap3A, %swap3A_2] : memref<10000x128xf32, #tpu.memory_space<vmem>>, vector<10000x50xf32>
    tpu.vector_store %arg2[%swap3A, %swap3A_2], %get3A_1 {strides = array<i32>} : memref<10000x128xf32, #tpu.memory_space<vmem>>, vector<10000x50xf32>,
    return
  }
  func.func @transform_0(%arg0: i32) -> (i32, i32) {
    %c0_i32 = arith.constant 0 : i32
    %c0_i32_0 = arith.constant 0 : i32
    return %arg0, %c0_i32 : i32, i32
  }
  func.func @transform_1(%arg0: i32) -> (i32, i32) {
    %c0_i32 = arith.constant 0 : i32
    %c0_i32_0 = arith.constant 0 : i32
    return %arg0, %c0_i32 : i32, i32
  }
}

</mosaic_0001>

<sc_bundles>
// kernel: kernel.4.cloned.1.call-start
scs
__scs_entry_jumppad:
0x0: {  	(pc) =	sbr.rel $0x88, $3  }
0x1: {  	(tag) =	ssettag $0x0;
	lr =	simm.s32 $0x1  }
0x2: {  	[smem:$0x3F9E] =	sst lr;
	_ =	strace $0xD0000000  }
0x3: {  	_ = 	snop  }
0x4: {  	_ = 	snop  }
0x5: {  	_ = 	snop  }
0x6: {  	_ = 	snop  }
0x7: {  	_ = 	snop  }
__scs_overlays_trampoline_lowered:
0x8: {  	[smem:$0x3FAD] =	sst s0  }
0x9: {  	[smem:$0x3FAE] =	sst s1  }
0xa: {  	[smem:$0x3FAF] =	sst s2  }
0xb: {  	[smem:$0x3FB0] =	sst s3  }
0xc: {  	[smem:$0x3FB1] =	sst s4  }
0xd: {  	[smem:$0x3FB2] =	sst s5  }
0xe: {  	[smem:$0x3FB3] =	sst s6  }
0xf: {  	[smem:$0x3FB4] =	sst s7  }
0x10: {  	[smem:$0x3FB5] =	sst s8  }
0x11: {  	[smem:$0x3FB6] =	sst s9;
	s0 =	simm.s32 @!p0 $0x0  }
0x12: {  	s1 =	sld [smem:$0x3F9C];
	s0 =	simm.s32 @p0 $0x1  }
0x13: {  	[smem:$0x3FB7] =	sst s0;
	s0 =	simm.s32 @!p1 $0x0  }
0x14: {  	s2 =	sld [smem:$0x3F9B];
	s0 =	simm.s32 @p1 $0x1  }
0x15: {  	[smem:$0x3FB8] =	sst s0;
	s0 =	simm.s32 @!p2 $0x0  }
0x16: {  	s3 =	sld [smem:$0x3FDB];
	s0 =	simm.s32 @p2 $0x1  }
0x17: {  	s4 =	simm.s32 $0x1BF5;
	[smem:$0x3FBA] =	sst s0  }
0x18: {  	s0 =	sld [smem:$0x3F9D];
	_ =	swait.ge [sflag:s4], $0x0  }
0x19: {  	s7 =	sld [smem:$0x3F9E]  }
0x1a: {  	s8 =	sadd.s32 $0xFFFFE003, lr  }
0x1b: {  	s9 =	sadd.s32 $0xFFFFFEF7, lr;
	s5 =	simm.s32 $0xFFFFFFFF;
	p2 =	slt.u32 s8, $0xFFFFF086  }
0x1c: {  	p1 =	slt.u32 s9, $0xF7A;
	s5 =	simm.s32 @!p2 $0x0  }
0x1d: {  	s5 =	simm.s32 @p1 $0x1;
	p0 =	seq.s32 s7, s2  }
0x1e: {  	s7 =	smul.u32 @!p0 $0xF7A, s2;
	p2 =	seq.s32 @!p0 s5, $0x0  }
0x1f: {  	s9 =	smul.u32 $0xF7A, s1;
	s8 =	simm.s32 @!p0 $0x1BF5;
	p2 =	por !p2, p0  }
0x20: {  	[sflag:s8] =	ssyncset.s32 @!p0 $0xFFFFF086;
	s6 =	sadd.s32 @!p0 s3, s7;
	s7 =	simm.s32 @!p0 $0x108  }
0x21: {  	s3 =	sadd.s32 s3, s9;
	s6 =	sadd.s32 @!p0 $0x88, s6;
	s7 =	simm.s32 @p2 $0x1082  }
0x22: {  	[simem:s7], [sflag:s8] =	dma.local @!p0 [hbm:s6], $0xF7A  }
0x23: {  	s9 =	sor.u32 $0xD0000000, s2;
	s6 =	simm.s32 $0x108;
	_ =	swait.ge @!p0 [sflag:s8], $0x0  }
0x24: {  	s3 =	sadd.s32 $0x88, s3;
	s6 =	simm.s32 @!p1 $0x1082;
	[sflag:s4] =	ssyncset.s32 $0xFFFFF086  }
0x25: {  	[simem:s6], [sflag:s4] =	dma.local [hbm:s3], $0xF7A  }
0x26: {  	[smem:$0x3F9E] =	sst s1;
	(tag) =	ssettag s2;
	_ =	strace s9  }
0x27: {  	s1 =	sld [smem:$0x3FAE]  }
0x28: {  	s2 =	sld [smem:$0x3FAF]  }
0x29: {  	s4 =	sld [smem:$0x3FB1]  }
0x2a: {  	p0 =	seq.s32 s5, $0x0;
	s5 =	sld [smem:$0x3FB2]  }
0x2b: {  	s6 =	sld [smem:$0x3FB3]  }
0x2c: {  	s7 =	sld [smem:$0x3FB4]  }
0x2d: {  	s3 =	simm.s32 $0x108;
	s8 =	sld [smem:$0x3FB5]  }
0x2e: {  	s3 =	simm.s32 @!p0 $0x1082;
	s9 =	sld [smem:$0x3FB6]  }
0x2f: {  	lr =	sadd.s32 s0, s3;
	s0 =	sld [smem:$0x3FAD]  }
0x30: {  	s3 =	sld [smem:$0x3FB0]  }
0x31: {  	[smem:$0x3FB9] =	sst s10  }
0x32: {  	s10 =	sld [smem:$0x3FB7];
	_ =	sdelay $0x3  }
0x33: {  	p0 =	seq.s32 s10, $0x1;
	s10 =	sld [smem:$0x3FB9];
	_ =	sdelay $0x3  }
0x34: {  	[smem:$0x3FB9] =	sst s10  }
0x35: {  	s10 =	sld [smem:$0x3FB8];
	_ =	sdelay $0x3  }
0x36: {  	p1 =	seq.s32 s10, $0x1;
	s10 =	sld [smem:$0x3FB9];
	_ =	sdelay $0x3  }
0x37: {  	[smem:$0x3FB9] =	sst s10  }
0x38: {  	s10 =	sld [smem:$0x3FBA]  }
0x39: {  	_ = 	snop;
	(pc) =	sbr.ind lr, $3  }
0x3a: {  	_ = 	snop  }
0x3b: {  	_ = 	snop  }
0x3c: {  	p2 =	seq.s32 s10, $0x1;
	s10 =	sld [smem:$0x3FB9]  }
0x3d: {  	_ =	shalt  }
0x3e: {  	_ =	shalt  }
0x3f: {  	_ =	shalt  }
0x40: {  	_ =	shalt  }
0x41: {  	_ =	shalt  }
0x42: {  	_ =	shalt  }
0x43: {  	_ =	shalt  }
0x44: {  	_ =	shalt  }
0x45: {  	_ =	shalt  }
0x46: {  	_ =	shalt  }
0x47: {  	_ =	shalt  }
0x48: {  	_ =	shalt  }
0x49: {  	_ =	shalt  }
0x4a: {  	_ =	shalt  }
0x4b: {  	_ =	shalt  }
0x4c: {  	_ =	shalt  }
0x4d: {  	_ =	shalt  }
0x4e: {  	_ =	shalt  }
0x4f: {  	_ =	shalt  }
0x50: {  	_ =	shalt  }
0x51: {  	_ =	shalt  }
0x52: {  	_ =	shalt  }
0x53: {  	_ =	shalt  }
0x54: {  	_ =	shalt  }
0x55: {  	_ =	shalt  }
0x56: {  	_ =	shalt  }
0x57: {  	_ =	shalt  }
0x58: {  	_ =	shalt  }
0x59: {  	_ =	shalt  }
0x5a: {  	_ =	shalt  }
0x5b: {  	_ =	shalt  }
0x5c: {  	_ =	shalt  }
0x5d: {  	_ =	shalt  }
0x5e: {  	_ =	shalt  }
0x5f: {  	_ =	shalt  }
0x60: {  	_ =	shalt  }
0x61: {  	_ =	shalt  }
0x62: {  	_ =	shalt  }
0x63: {  	_ =	shalt  }
0x64: {  	_ =	shalt  }
0x65: {  	_ =	shalt  }
0x66: {  	_ =	shalt  }
0x67: {  	_ =	shalt  }
0x68: {  	_ =	shalt  }
0x69: {  	_ =	shalt  }
0x6a: {  	_ =	shalt  }
0x6b: {  	_ =	shalt  }
0x6c: {  	_ =	shalt  }
0x6d: {  	_ =	shalt  }
0x6e: {  	_ =	shalt  }
0x6f: {  	_ =	shalt  }
0x70: {  	_ =	shalt  }
0x71: {  	_ =	shalt  }
0x72: {  	_ =	shalt  }
0x73: {  	_ =	shalt  }
0x74: {  	_ =	shalt  }
0x75: {  	_ =	shalt  }
0x76: {  	_ =	shalt  }
0x77: {  	_ =	shalt  }
0x78: {  	_ =	shalt  }
0x79: {  	_ =	shalt  }
0x7a: {  	_ =	shalt  }
0x7b: {  	_ =	shalt  }
0x7c: {  	_ =	shalt  }
0x7d: {  	_ =	shalt  }
0x7e: {  	_ =	shalt  }
0x7f: {  	_ =	shalt  }
0x80: {  	_ =	shalt  }
0x81: {  	_ =	shalt  }
0x82: {  	_ =	shalt  }
0x83: {  	_ =	shalt  }
0x84: {  	_ =	shalt  }
0x85: {  	_ =	shalt  }
0x86: {  	_ =	shalt  }
0x87: {  	_ =	shalt  }
.Lfunc_end0:
.L_simem_size_0:
called_computation.1_lowered:
.L_overlay_start_0:
0x88: {  	s2 =	sld [smem:$0x3FD9]  }
0x89: {  	s3 =	sld [smem:$0x3FFE];
	_ =	sdelay $0x1  }
0x8a: {  	s1 =	srdreg.scid  }
0x8b: {  	s0 =	sand.u32 $0x1, s1  }
0x8c: {  	s14 =	sshll.u32 s0, $0xA;
	s2 =	sadd.s32 s3, s2  }
0x8d: {  	s2 =	sadd.s32 s2, s14  }
0x8e: {  	[smem:$0x3FC5] =	sst s2  }
0x8f: {  	_ = 	snop  }
0x90: {  	s2 =	sld [smem:$0x3FD0];
	_ =	sdelay $0x2  }
0x91: {  	s15 =	simm.s32 $0xA;
	s4 =	simm.s32 $0x10  }
0x92: {  	[smem:s4], [sflag:s15] =	dma.local [hbm:s2], $0x1  }
0x93: {  	_ =	swait.eq [sflag:s15], $0x1  }
0x94: {  	[sflag:s15] =	ssyncset.done $0x0  }
0x95: {  	s16 =	sld [smem:$0x10];
	[sflag:s15] =	ssyncadd.s32 $0xFFFFFFFF  }
0x96: {  	s17 =	sld [smem:$0x11];
	(tm) =	ssettm $0x1  }
0x97: {  	s18 =	sld [smem:$0x3FFB];
	_ =	sdelay $0x3  }
0x98: {  	_ =	strace s18  }
0x99: {  	s4 =	sld [smem:$0x3FFC];
	_ =	sdelay $0x3  }
0x9a: {  	_ =	strace s4  }
0x9b: {  	s4 =	sld [smem:$0x3FFD];
	_ =	sdelay $0x3  }
0x9c: {  	_ =	strace s4  }
0x9d: {  	_ =	strace $0x8FFFFFFF  }
0x9e: {  	s19 =	sld [smem:$0x3FDB];
	_ =	sdelay $0x1  }
0x9f: {  	s5 =	simm.s32 $_scs_section_size  }
0xa0: {  	s6 =	simm.s32 $_size__tile_overlayer_lowered;
	s7 =	simm.s32 $_tile_overlayer_lowered  }
0xa1: {  	s22 =	simm.s32 $0x1BFF;
	s21 =	sshll.u32 s7, $0x1;
	s4 =	sadd.s32 s5, s19  }
0xa2: {  	s8 =	simm.s32 $0x0;
	s20 =	sshll.u32 s6, $0x1;
	s6 =	sadd.s32 s21, s4  }
0xa3: {  	[timem:s8], [sflag:s22] =	dma.local [hbm:s6], s20  }
0xa4: {  	_ =	swait.ge [sflag:s22], s20  }
0xa5: {  	s5 =	ssub.s32 $0x0, s20;
	[sflag:s22] =	ssyncset.done $0x0  }
0xa6: {  	[sflag:s22] =	ssyncadd.s32 s5;
	_ =	sdelay $0x1  }
0xa7: {  	s23 =	simm.s32 $0x1B8B  }
0xa8: {  	_ =	swait.ge [sflag:s23], $0x1  }
0xa9: {  	[sflag:s23] =	ssyncset.done $0x0  }
0xaa: {  	s25 =	simm.s32 $0x1B8E;
	s24 =	sld [smem:$0x3FFE];
	[sflag:s23] =	ssyncadd.s32 $0xFFFFFFFF  }
0xab: {  	s26 =	simm.s32 $execute0_lowered;
	[smem:$0x3FD2] =	sst s25  }
0xac: {  	s6 =	sshll.u32 s26, $0x1;
	_ =	strace $0x80000046;
	[dreg:$0x1] =	wrdreg $0xFFFFFFFF  }
0xad: {  	s28 =	simm.s32 $_size_execute0_lowered;
	s4 =	sadd.s32 s4, s6;
	[dreg:$0x0] =	wrdreg $0x0  }
0xae: {  	s6 =	sshll.u32 s28, $0x1;
	[dreg:$0x2] =	wrdreg s4  }
0xaf: {  	[dreg:$0x3] =	wrdreg s6  }
0xb0: {  	[dreg:$0x4] =	wrdreg $0xC0  }
0xb1: {  	_ =	task [dreg:s8], $0x5FFFF  }
0xb2: {  	[dreg:$0x1] =	wrdreg $0xFFFFFFFF  }
0xb3: {  	[dreg:$0x0] =	wrdreg $0x60  }
0xb4: {  	[dreg:$0x2] =	wrdreg s24  }
0xb5: {  	[dreg:$0x3] =	wrdreg s17  }
0xb6: {  	[dreg:$0x4] =	wrdreg s16  }
0xb7: {  	[dreg:$0x5] =	wrdreg $0x9  }
0xb8: {  	_ =	task.clear_ibuf [dreg:s8], $0x6FFFF;
	_ =	strace $0x90000046  }
0xb9: {  	s29 =	simm.s32 $0x9;
	_ =	strace $0x80000048  }
0xba: {  	_ =	swait.ge [sflag:s29], $0x1  }
0xbb: {  	[sflag:s29] =	ssyncadd.s32 $0xFFFFFFFF  }
0xbc: {  	_ =	strace $0x90000048  }
0xbd: {  	_ =	sfence  }
0xbe: {  	s30 =	sld [smem:$0x0];
	_ =	sdelay $0x2  }
0xbf: {  	s31 =	sshll.u32 s1, $0xD;
	s1 =	sshrl.u32 s1, $0x2  }
0xc0: {  	s3 =	sand.u32 $0x4000, s31;
	s1 =	sadd.s32 s1, s30  }
0xc1: {  	s0 =	sor.u32 s3, s0;
	s1 =	sshll.u32 s1, $0x11  }
0xc2: {  	s0 =	sor.u32 s1, s0  }
0xc3: {  	s0 =	sadd.s32 $0x8F2B, s0  }
0xc4: {  	[sflag:s0] =	ssyncadd.remote.s32 $0x1  }
0xc5: {  	_ =	sfence.sel $0xFFFF  }
0xc6: {  	[dreg:$0x0] =	wrdreg $0xFFFFFFFF;
	(pc) =	sbr.abs _section_cstart, $3  }
0xc7: {  	[dreg:$0x1] =	wrdreg $0xFFFFFFFF  }
0xc8: {  	_ =	task.clear_ibuf [dreg:s8], $0x2FFFF;
	_ =	strace $0x9FFFFFFF  }
0xc9: {  	(tm) =	ssettm $0x7FFFFFFF  }
tec
execute0_lowered:
.L_overlay_start_1:
0x0: {  	(tag) =	ssettag $0x1  }
0x1: {  	s12 =	stileid.u32  }
0x2: {  	s14 =	smul.u32 $0x640000, s12  }
0x3: {  	s3 =	srdreg.scid;
	s16 =	smul.u32 $0xC800, s12  }
0x4: {  	s6 =	sand.u32 $0x1, s3;
	s20 =	smul.u32 $0xA0000, s12  }
0x5: {  	s0 =	rddreg [dreg:$0x0];
	s4 =	sshll.u32 s12, $0x1;
	s15 =	smul.u32 $0x320000, s6  }
0x6: {  	s1 =	rddreg [dreg:$0x1];
	s7 =	sor.u32 s6, s4;
	s18 =	smul.u32 $0x6400, s6  }
0x7: {  	s5 =	rddreg [dreg:$0x2];
	s2 =	simm.s32 $0x0;
	s10 =	smul.u32 $0x6400, s7  }
0x8: {  	s28 =	simm.s32 $0x6E00;
	s29 =	simm.s32 $0xAE00;
	s11 =	smul.u32 $0xA00, s7  }
0x9: {  	s31 =	simm.s32 $0xEE00;
	s30 =	simm.s32 $0x1;
	s23 =	smul.u32 $0x320000, s7  }
0xa: {  	[smem:$0x7FF] =	sst s2;
	s3 =	sadd.s32 $0xF43400, s0;
	s25 =	smul.u32 $0x64000, s7  }
0xb: {  	s8 =	sadd.s32 $0x141000, s0;
	s9 =	ssub.s32 $0x2, s6;
	s26 =	smul.u32 $0x50000, s7  }
0xc: {  	_ =	strace $0x80000047;
	s21 =	sshrl.u32 s9, $0x1;
	s7 =	smul.u32 $0xA000, s7  }
0xd: {  	s4 =	sadd.s32 $0x1000, s0;
	s0 =	ssub.s32 s9, s21;
	s21 =	smul.u32 $0x1400, s12  }
0xe: {  	s22 =	sshrl.u32 s10, $0x3;
	s24 =	sshrl.u32 s11, $0x3;
	s0 =	smax.u32 s0, $0x1  }
0xf: {  	s10 =	sshrl.u32 s23, $0x3;
	s1 =	sadd.s32 s1, s22;
	[dreg:$0x6] =	wrdreg s0  }
0x10: {  	s11 =	sadd.s32 s25, s8;
	s0 =	sadd.s32 s8, s10;
	[dreg:$0x4] =	wrdreg s1  }
0x11: {  	s7 =	sadd.s32 s7, s4;
	s13 =	sadd.s32 $0x800, s11;
	[dreg:$0x7] =	wrdreg s0  }
0x12: {  	s9 =	sadd.s32 $0x1000, s11;
	s17 =	sadd.s32 $0x800, s7;
	[dreg:$0x8] =	wrdreg s13  }
0x13: {  	s19 =	sadd.s32 $0x1000, s7;
	s22 =	smul.u32 $0xA00, s6;
	[dreg:$0x9] =	wrdreg s9  }
0x14: {  	s7 =	sadd.s32 $0x1800, s7;
	s6 =	smul.u32 $0x50000, s6;
	[dreg:$0xc] =	wrdreg s17  }
0x15: {  	s10 =	simm.s32 $0x8;
	s1 =	sadd.s32 s5, s24;
	[dreg:$0xd] =	wrdreg s19  }
0x16: {  	s5 =	sadd.s32 $0x1800, s11;
	[dreg:$0xe] =	wrdreg s7;
	s0 =	sadd.s32 s15, s14  }
0x17: {  	s7 =	simm.s32 $0x5;
	s9 =	simm.s32 $0x7;
	[dreg:$0x5] =	wrdreg s1  }
0x18: {  	s11 =	simm.s32 $0x0;
	[dreg:$0xa] =	wrdreg s5;
	s1 =	sshrl.u32 s26, $0x3  }
0x19: {  	s0 =	sor.u32 $0x10000, s0;
	s23 =	sadd.s32 s22, s21;
	s24 =	sadd.s32 s6, s20  }
0x1a: {  	s21 =	simm.s32 $0x6400;
	s5 =	simm.s32 $0x3;
	s6 =	simm.s32 $0x4  }
0x1b: {  	s1 =	sadd.s32 s4, s1;
	s0 =	sshrl.u32 s0, $0x3;
	s25 =	sadd.s32 $0x10000, s24  }
0x1c: {  	s24 =	simm.s32 $0x9;
	[dreg:$0xb] =	wrdreg s1;
	s1 =	sadd.s32 s18, s16  }
0x1d: {  	s16 =	sadd.s32 s0, s8;
	s0 =	sshll.u32 s23, $0x4;
	s1 =	sshll.u32 s1, $0x4  }
0x1e: {  	[dreg:$0xf] =	wrdreg s25;
	s0 =	sadd.s32 s4, s0;
	s1 =	sadd.s32 s1, s8  }
0x1f: {  	s20 =	sadd.s32 $0x3800, s0;
	s26 =	sadd.s32 $0x3000, s0;
	s0 =	sadd.s32 $0x2800, s0  }
0x20: {  	s8 =	simm.s32 $0x6;
	s17 =	sadd.s32 $0x3800, s1;
	[dreg:$0x10] =	wrdreg s26  }
0x21: {  	s18 =	sadd.s32 $0x3000, s1;
	s19 =	sadd.s32 $0x2800, s1;
	[dreg:$0x11] =	wrdreg s0  }
0x22: {  	s26 =	simm.s32 $0x80;
	s1 =	simm.s32 $0x12E00;
	s0 =	simm.s32 $0x2  }
.LBB2_1:
0x23: {  	s12 =	rddreg [dreg:$0x4]  }
0x24: {  	[tilespmem:s2], [sflag:$0x9] =	stream.linear.gather [hbm4b:s12+s2], $0x6400, $0x38;
	[tilespmem:$0x16E00] =	vst v63  }
0x25: {  	_ =	swait.ge [sflag:s24], $0x6400  }
0x26: {  	[sflag:s24] =	ssyncset.done $0x0  }
0x27: {  	s23 =	rddreg [dreg:$0x5];
	[sflag:s24] =	ssyncadd.s32 $0xFFFF9C00  }
0x28: {  	[tilespmem:s21], [sflag:$0x9] =	stream.linear.gather [hbm4b:s23+s2], $0xA00, $0x38;
	[tilespmem:$0x16E00] =	vst v63  }
0x29: {  	_ =	swait.ge [sflag:s24], $0xA00  }
0x2a: {  	[sflag:s24] =	ssyncset.done $0x0  }
0x2b: {  	[sflag:s24] =	ssyncadd.s32 $0xFFFFF600  }
0x2c: {  	[tilespmem:s28], [sflag:$0x1] =	stream.indirect.gather [hbm4b:s3+s26], $0x80, s2, s26, $0xb8;
	[tilespmem:$0x16E00] =	vst v63  }
0x2d: {  	_ = 	snop  }
0x2e: {  	[tilespmem:s29], [sflag:$0x2] =	stream.indirect.gather [hbm4b:s3+s26], $0x80, s26, s26, $0xb8;
	[tilespmem:$0x16E00] =	vst v63  }
0x2f: {  	s25 =	simm.s32 $0x100  }
0x30: {  	[tilespmem:s31], [sflag:$0x3] =	stream.indirect.gather [hbm4b:s3+s26], $0x80, s25, s26, $0xb8;
	[tilespmem:$0x16E00] =	vst v63  }
0x31: {  	s13 =	simm.s32 $0x180  }
0x32: {  	[tilespmem:s1], [sflag:$0x4] =	stream.indirect.gather [hbm4b:s3+s26], $0x80, s13, s26, $0xb8;
	[tilespmem:$0x16E00] =	vst v63  }
0x33: {  	_ =	swait.ge [sflag:s30], $0x4000  }
0x34: {  	[sflag:s30] =	ssyncset.done $0x0  }
0x35: {  	s14 =	rddreg [dreg:$0x7];
	[sflag:s30] =	ssyncadd.s32 $0xFFFFC000  }
0x36: {  	[hbm4b:s14+s2] =	stream.linear.scatter [tilespmem:s28], [sflag:$0x5], $0x4000, $0x38;
	[tilespmem:$0x16E00] =	vst v63  }
0x37: {  	_ =	swait.ge [sflag:s0], $0x4000  }
0x38: {  	[sflag:s0] =	ssyncset.done $0x0  }
0x39: {  	s15 =	rddreg [dreg:$0x8];
	[sflag:s0] =	ssyncadd.s32 $0xFFFFC000  }
0x3a: {  	[hbm4b:s15+s2] =	stream.linear.scatter [tilespmem:s29], [sflag:$0x6], $0x4000, $0x38;
	[tilespmem:$0x16E00] =	vst v63  }
0x3b: {  	_ =	swait.ge [sflag:s5], $0x4000  }
0x3c: {  	[sflag:s5] =	ssyncset.done $0x0  }
0x3d: {  	s22 =	rddreg [dreg:$0x9];
	[sflag:s5] =	ssyncadd.s32 $0xFFFFC000  }
0x3e: {  	[hbm4b:s22+s2] =	stream.linear.scatter [tilespmem:s31], [sflag:$0x7], $0x4000, $0x38;
	[tilespmem:$0x16E00] =	vst v63  }
0x3f: {  	_ =	swait.ge [sflag:s6], $0x4000  }
0x40: {  	[sflag:s6] =	ssyncset.done $0x0  }
0x41: {  	s23 =	rddreg [dreg:$0xa];
	[sflag:s6] =	ssyncadd.s32 $0xFFFFC000  }
0x42: {  	[hbm4b:s23+s2] =	stream.linear.scatter [tilespmem:s1], [sflag:$0x8], $0x4000, $0x38;
	[tilespmem:$0x16E00] =	vst v63  }
0x43: {  	_ =	swait.ge [sflag:s7], $0x4000  }
0x44: {  	[sflag:s7] =	ssyncset.done $0x0  }
0x45: {  	[sflag:s7] =	ssyncadd.s32 $0xFFFFC000  }
0x46: {  	_ =	swait.ge [sflag:s8], $0x4000  }
0x47: {  	[sflag:s8] =	ssyncset.done $0x0  }
0x48: {  	[sflag:s8] =	ssyncadd.s32 $0xFFFFC000  }
0x49: {  	_ =	swait.ge [sflag:s9], $0x4000  }
0x4a: {  	[sflag:s9] =	ssyncset.done $0x0  }
0x4b: {  	[sflag:s9] =	ssyncadd.s32 $0xFFFFC000  }
0x4c: {  	_ =	swait.ge [sflag:s10], $0x4000  }
0x4d: {  	[sflag:s10] =	ssyncset.done $0x0  }
0x4e: {  	s25 =	simm.s32 $0x200;
	[sflag:s10] =	ssyncadd.s32 $0xFFFFC000  }
0x4f: {  	[tilespmem:s28], [sflag:$0x1] =	stream.indirect.gather [hbm4b:s3+s26], $0x80, s25, s26, $0xb8;
	[tilespmem:$0x16E00] =	vst v63  }
0x50: {  	s13 =	simm.s32 $0x280  }
0x51: {  	[tilespmem:s29], [sflag:$0x2] =	stream.indirect.gather [hbm4b:s3+s26], $0x80, s13, s26, $0xb8;
	[tilespmem:$0x16E00] =	vst v63  }
0x52: {  	s14 =	simm.s32 $0x300  }
0x53: {  	[tilespmem:s31], [sflag:$0x3] =	stream.indirect.gather [hbm4b:s3+s26], $0x80, s14, s26, $0xb8;
	[tilespmem:$0x16E00] =	vst v63  }
0x54: {  	s15 =	simm.s32 $0x380  }
0x55: {  	[tilespmem:s1], [sflag:$0x4] =	stream.indirect.gather [hbm4b:s3+s26], $0x80, s15, s26, $0xb8;
	[tilespmem:$0x16E00] =	vst v63  }
0x56: {  	_ =	swait.ge [sflag:s30], $0x4000  }
0x57: {  	[sflag:s30] =	ssyncset.done $0x0  }
0x58: {  	s22 =	sadd.s32 $0x0, s16;
	[sflag:s30] =	ssyncadd.s32 $0xFFFFC000  }
0x59: {  	[hbm4b:s22+s2] =	stream.linear.scatter [tilespmem:s28], [sflag:$0x5], $0x4000, $0x38;
	[tilespmem:$0x16E00] =	vst v63  }
0x5a: {  	_ =	swait.ge [sflag:s0], $0x4000  }
0x5b: {  	[sflag:s0] =	ssyncset.done $0x0  }
0x5c: {  	s23 =	sadd.s32 $0x0, s19;
	[sflag:s0] =	ssyncadd.s32 $0xFFFFC000  }
0x5d: {  	[hbm4b:s23+s2] =	stream.linear.scatter [tilespmem:s29], [sflag:$0x6], $0x4000, $0x38;
	[tilespmem:$0x16E00] =	vst v63  }
0x5e: {  	_ =	swait.ge [sflag:s5], $0x4000  }
0x5f: {  	[sflag:s5] =	ssyncset.done $0x0  }
0x60: {  	s25 =	sadd.s32 $0x0, s18;
	[sflag:s5] =	ssyncadd.s32 $0xFFFFC000  }
0x61: {  	[hbm4b:s25+s2] =	stream.linear.scatter [tilespmem:s31], [sflag:$0x7], $0x4000, $0x38;
	[tilespmem:$0x16E00] =	vst v63  }
0x62: {  	_ =	swait.ge [sflag:s6], $0x4000  }
0x63: {  	s12 =	simm.s32 $0x2000;
	[sflag:s6] =	ssyncset.done $0x0  }
0x64: {  	s13 =	simm.s32 $0x400;
	s14 =	sadd.s32 $0x0, s17;
	[sflag:s6] =	ssyncadd.s32 $0xFFFFC000  }
.LBB2_2:
0x65: {  	[hbm4b:s14+s2] =	stream.linear.scatter [tilespmem:s1], [sflag:$0x8], $0x4000, $0x38;
	[tilespmem:$0x16E00] =	vst v63  }
0x66: {  	s14 =	smov.u32 s12  }
0x67: {  	p0 =	sne.s32 s12, $0x60000;
	s12 =	sadd.s32 $0x2000, s12;
	_ =	swait.ge [sflag:s7], $0x4000  }
0x68: {  	[sflag:s7] =	ssyncset.done $0x0  }
0x69: {  	[sflag:s7] =	ssyncadd.s32 $0xFFFFC000  }
0x6a: {  	_ =	swait.ge [sflag:s8], $0x4000  }
0x6b: {  	[sflag:s8] =	ssyncset.done $0x0  }
0x6c: {  	[sflag:s8] =	ssyncadd.s32 $0xFFFFC000  }
0x6d: {  	_ =	swait.ge [sflag:s9], $0x4000  }
0x6e: {  	[sflag:s9] =	ssyncset.done $0x0  }
0x6f: {  	[sflag:s9] =	ssyncadd.s32 $0xFFFFC000  }
0x70: {  	_ =	swait.ge [sflag:s10], $0x4000  }
0x71: {  	[sflag:s10] =	ssyncset.done $0x0  }
0x72: {  	[sflag:s10] =	ssyncadd.s32 $0xFFFFC000  }
0x73: {  	[tilespmem:s28], [sflag:$0x1] =	stream.indirect.gather [hbm4b:s3+s26], $0x80, s13, s26, $0xb8;
	[tilespmem:$0x16E00] =	vst v63  }
0x74: {  	s15 =	sadd.s32 $0x80, s13  }
0x75: {  	[tilespmem:s29], [sflag:$0x2] =	stream.indirect.gather [hbm4b:s3+s26], $0x80, s15, s26, $0xb8;
	[tilespmem:$0x16E00] =	vst v63  }
0x76: {  	s15 =	sadd.s32 $0x100, s13  }
0x77: {  	[tilespmem:s31], [sflag:$0x3] =	stream.indirect.gather [hbm4b:s3+s26], $0x80, s15, s26, $0xb8;
	[tilespmem:$0x16E00] =	vst v63  }
0x78: {  	s15 =	sadd.s32 $0x180, s13  }
0x79: {  	[tilespmem:s1], [sflag:$0x4] =	stream.indirect.gather [hbm4b:s3+s26], $0x80, s15, s26, $0xb8;
	[tilespmem:$0x16E00] =	vst v63  }
0x7a: {  	_ =	swait.ge [sflag:s30], $0x4000  }
0x7b: {  	[sflag:s30] =	ssyncset.done $0x0  }
0x7c: {  	s15 =	sadd.s32 s14, s16;
	[sflag:s30] =	ssyncadd.s32 $0xFFFFC000  }
0x7d: {  	[hbm4b:s15+s2] =	stream.linear.scatter [tilespmem:s28], [sflag:$0x5], $0x4000, $0x38;
	[tilespmem:$0x16E00] =	vst v63  }
0x7e: {  	_ =	swait.ge [sflag:s0], $0x4000  }
0x7f: {  	[sflag:s0] =	ssyncset.done $0x0  }
0x80: {  	s15 =	sadd.s32 s14, s19;
	[sflag:s0] =	ssyncadd.s32 $0xFFFFC000  }
0x81: {  	[hbm4b:s15+s2] =	stream.linear.scatter [tilespmem:s29], [sflag:$0x6], $0x4000, $0x38;
	[tilespmem:$0x16E00] =	vst v63  }
0x82: {  	_ =	swait.ge [sflag:s5], $0x4000  }
0x83: {  	[sflag:s5] =	ssyncset.done $0x0  }
.Ltmp0:
0x84: {  	s15 =	sadd.s32 s14, s18;
	[sflag:s5] =	ssyncadd.s32 $0xFFFFC000;
	(pc) =	sbr.rel @p0 .LBB2_2-.Ltmp0, $4  }
0x85: {  	[hbm4b:s15+s2] =	stream.linear.scatter [tilespmem:s31], [sflag:$0x7], $0x4000, $0x38;
	[tilespmem:$0x16E00] =	vst v63  }
0x86: {  	_ =	swait.ge [sflag:s6], $0x4000  }
0x87: {  	[sflag:s6] =	ssyncset.done $0x0  }
0x88: {  	s13 =	sadd.s32 $0x200, s13;
	s14 =	sadd.s32 s14, s17;
	[sflag:s6] =	ssyncadd.s32 $0xFFFFC000  }
0x89: {  	[hbm4b:s14+s2] =	stream.linear.scatter [tilespmem:s1], [sflag:$0x8], $0x4000, $0x38;
	[tilespmem:$0x16E00] =	vst v63  }
0x8a: {  	_ =	swait.ge [sflag:s7], $0x4000  }
0x8b: {  	[sflag:s7] =	ssyncset.done $0x0  }
0x8c: {  	[sflag:s7] =	ssyncadd.s32 $0xFFFFC000  }
0x8d: {  	_ =	swait.ge [sflag:s8], $0x4000  }
0x8e: {  	[sflag:s8] =	ssyncset.done $0x0  }
0x8f: {  	[sflag:s8] =	ssyncadd.s32 $0xFFFFC000  }
0x90: {  	_ =	swait.ge [sflag:s9], $0x4000  }
0x91: {  	[sflag:s9] =	ssyncset.done $0x0  }
0x92: {  	[sflag:s9] =	ssyncadd.s32 $0xFFFFC000  }
0x93: {  	_ =	swait.ge [sflag:s10], $0x4000  }
0x94: {  	[sflag:s10] =	ssyncset.done $0x0  }
0x95: {  	[sflag:s10] =	ssyncadd.s32 $0xFFFFC000  }
0x96: {  	[tilespmem:s28], [sflag:$0x1] =	stream.indirect.gather [hbm4b:s3+s26], $0x80, s21, s26, $0xb8;
	[tilespmem:$0x16E00] =	vst v63  }
0x97: {  	s12 =	simm.s32 $0x6480  }
0x98: {  	[tilespmem:s29], [sflag:$0x2] =	stream.indirect.gather [hbm4b:s3+s26], $0x80, s12, s26, $0xb8;
	[tilespmem:$0x16E00] =	vst v63  }
0x99: {  	s14 =	simm.s32 $0x6500  }
0x9a: {  	[tilespmem:s31], [sflag:$0x3] =	stream.indirect.gather [hbm4b:s3+s26], $0x80, s14, s26, $0xb8;
	[tilespmem:$0x16E00] =	vst v63  }
0x9b: {  	s15 =	simm.s32 $0x6580  }
0x9c: {  	[tilespmem:s1], [sflag:$0x4] =	stream.indirect.gather [hbm4b:s3+s26], $0x80, s15, s26, $0xb8;
	[tilespmem:$0x16E00] =	vst v63  }
0x9d: {  	_ =	swait.ge [sflag:s30], $0x4000  }
0x9e: {  	[sflag:s30] =	ssyncset.done $0x0  }
0x9f: {  	s21 =	simm.s32 $0x0;
	s13 =	rddreg [dreg:$0xb];
	[sflag:s30] =	ssyncadd.s32 $0xFFFFC000  }
0xa0: {  	[hbm4b:s13+s21] =	stream.linear.scatter [tilespmem:s28], [sflag:$0x5], $0x4000, $0x38;
	[tilespmem:$0x16E00] =	vst v63  }
0xa1: {  	_ =	swait.ge [sflag:s0], $0x4000  }
0xa2: {  	[sflag:s0] =	ssyncset.done $0x0  }
0xa3: {  	s22 =	rddreg [dreg:$0xc];
	[sflag:s0] =	ssyncadd.s32 $0xFFFFC000  }
0xa4: {  	[hbm4b:s22+s21] =	stream.linear.scatter [tilespmem:s29], [sflag:$0x6], $0x4000, $0x38;
	[tilespmem:$0x16E00] =	vst v63  }
0xa5: {  	_ =	swait.ge [sflag:s5], $0x4000  }
0xa6: {  	[sflag:s5] =	ssyncset.done $0x0  }
0xa7: {  	s23 =	rddreg [dreg:$0xd];
	[sflag:s5] =	ssyncadd.s32 $0xFFFFC000  }
0xa8: {  	[hbm4b:s23+s21] =	stream.linear.scatter [tilespmem:s31], [sflag:$0x7], $0x4000, $0x38;
	[tilespmem:$0x16E00] =	vst v63  }
0xa9: {  	_ =	swait.ge [sflag:s6], $0x4000  }
0xaa: {  	[sflag:s6] =	ssyncset.done $0x0  }
0xab: {  	s25 =	rddreg [dreg:$0xe];
	[sflag:s6] =	ssyncadd.s32 $0xFFFFC000  }
0xac: {  	[hbm4b:s25+s21] =	stream.linear.scatter [tilespmem:s1], [sflag:$0x8], $0x4000, $0x38;
	[tilespmem:$0x16E00] =	vst v63  }
0xad: {  	_ =	swait.ge [sflag:s7], $0x4000  }
0xae: {  	[sflag:s7] =	ssyncset.done $0x0  }
0xaf: {  	[sflag:s7] =	ssyncadd.s32 $0xFFFFC000  }
0xb0: {  	_ =	swait.ge [sflag:s8], $0x4000  }
0xb1: {  	[sflag:s8] =	ssyncset.done $0x0  }
0xb2: {  	[sflag:s8] =	ssyncadd.s32 $0xFFFFC000  }
0xb3: {  	_ =	swait.ge [sflag:s9], $0x4000  }
0xb4: {  	[sflag:s9] =	ssyncset.done $0x0  }
0xb5: {  	[sflag:s9] =	ssyncadd.s32 $0xFFFFC000  }
0xb6: {  	_ =	swait.ge [sflag:s10], $0x4000  }
0xb7: {  	[sflag:s10] =	ssyncset.done $0x0  }
0xb8: {  	s13 =	simm.s32 $0x6600;
	[sflag:s10] =	ssyncadd.s32 $0xFFFFC000  }
0xb9: {  	[tilespmem:s28], [sflag:$0x1] =	stream.indirect.gather [hbm4b:s3+s26], $0x80, s13, s26, $0xb8;
	[tilespmem:$0x16E00] =	vst v63  }
0xba: {  	s14 =	simm.s32 $0x6680  }
0xbb: {  	[tilespmem:s29], [sflag:$0x2] =	stream.indirect.gather [hbm4b:s3+s26], $0x80, s14, s26, $0xb8;
	[tilespmem:$0x16E00] =	vst v63  }
0xbc: {  	s15 =	simm.s32 $0x6700  }
0xbd: {  	[tilespmem:s31], [sflag:$0x3] =	stream.indirect.gather [hbm4b:s3+s26], $0x80, s15, s26, $0xb8;
	[tilespmem:$0x16E00] =	vst v63  }
0xbe: {  	s21 =	simm.s32 $0x6780  }
0xbf: {  	[tilespmem:s1], [sflag:$0x4] =	stream.indirect.gather [hbm4b:s3+s26], $0x80, s21, s26, $0xb8;
	[tilespmem:$0x16E00] =	vst v63  }
0xc0: {  	_ =	swait.ge [sflag:s30], $0x4000  }
0xc1: {  	s15 =	rddreg [dreg:$0xf]  }
0xc2: {  	[sflag:s30] =	ssyncset.done $0x0;
	s22 =	sshrl.u32 s15, $0x3  }
0xc3: {  	[sflag:s30] =	ssyncadd.s32 $0xFFFFC000;
	s12 =	sadd.s32 s4, s22  }
0xc4: {  	[hbm4b:s12+s2] =	stream.linear.scatter [tilespmem:s28], [sflag:$0x5], $0x4000, $0x38;
	[tilespmem:$0x16E00] =	vst v63  }
0xc5: {  	_ =	swait.ge [sflag:s0], $0x4000  }
0xc6: {  	[sflag:s0] =	ssyncset.done $0x0  }
0xc7: {  	s23 =	rddreg [dreg:$0x11];
	[sflag:s0] =	ssyncadd.s32 $0xFFFFC000  }
0xc8: {  	[hbm4b:s23+s2] =	stream.linear.scatter [tilespmem:s29], [sflag:$0x6], $0x4000, $0x38;
	[tilespmem:$0x16E00] =	vst v63  }
0xc9: {  	_ =	swait.ge [sflag:s5], $0x4000  }
0xca: {  	[sflag:s5] =	ssyncset.done $0x0  }
0xcb: {  	s25 =	rddreg [dreg:$0x10];
	[sflag:s5] =	ssyncadd.s32 $0xFFFFC000  }
0xcc: {  	[hbm4b:s25+s2] =	stream.linear.scatter [tilespmem:s31], [sflag:$0x7], $0x4000, $0x38;
	[tilespmem:$0x16E00] =	vst v63  }
0xcd: {  	s21 =	smov.u32 s20;
	s15 =	sadd.s32 $0x10000, s15;
	_ =	swait.ge [sflag:s6], $0x4000  }
0xce: {  	s12 =	simm.s32 $0x800;
	s14 =	sadd.s32 $0x2000, s23;
	[sflag:s6] =	ssyncset.done $0x0  }
0xcf: {  	s13 =	sadd.s32 $0x2000, s25;
	s25 =	sadd.s32 $0x2000, s20;
	[sflag:s6] =	ssyncadd.s32 $0xFFFFC000  }
.LBB2_4:
0xd0: {  	[hbm4b:s21+s2] =	stream.linear.scatter [tilespmem:s1], [sflag:$0x8], $0x4000, $0x38;
	[tilespmem:$0x16E00] =	vst v63  }
0xd1: {  	s22 =	smov.u32 s12;
	s21 =	smov.u32 s25  }
0xd2: {  	p0 =	sne.s32 s12, $0x1800;
	s12 =	sadd.s32 $0x800, s12;
	_ =	swait.ge [sflag:s7], $0x4000  }
0xd3: {  	[sflag:s7] =	ssyncset.done $0x0  }
0xd4: {  	[sflag:s7] =	ssyncadd.s32 $0xFFFFC000  }
0xd5: {  	_ =	swait.ge [sflag:s8], $0x4000  }
0xd6: {  	[sflag:s8] =	ssyncset.done $0x0  }
0xd7: {  	[sflag:s8] =	ssyncadd.s32 $0xFFFFC000  }
0xd8: {  	_ =	swait.ge [sflag:s9], $0x4000  }
0xd9: {  	[sflag:s9] =	ssyncset.done $0x0  }
0xda: {  	[sflag:s9] =	ssyncadd.s32 $0xFFFFC000  }
0xdb: {  	_ =	swait.ge [sflag:s10], $0x4000  }
0xdc: {  	s22 =	sshra.s32 s22, $0x2;
	[sflag:s10] =	ssyncset.done $0x0  }
0xdd: {  	s23 =	sadd.s32 $0x6600, s22;
	[sflag:s10] =	ssyncadd.s32 $0xFFFFC000  }
0xde: {  	[tilespmem:s28], [sflag:$0x1] =	stream.indirect.gather [hbm4b:s3+s26], $0x80, s23, s26, $0xb8;
	[tilespmem:$0x16E00] =	vst v63  }
0xdf: {  	s23 =	sadd.s32 $0x6680, s22  }
0xe0: {  	[tilespmem:s29], [sflag:$0x2] =	stream.indirect.gather [hbm4b:s3+s26], $0x80, s23, s26, $0xb8;
	[tilespmem:$0x16E00] =	vst v63  }
0xe1: {  	s23 =	sadd.s32 $0x6700, s22  }
0xe2: {  	[tilespmem:s31], [sflag:$0x3] =	stream.indirect.gather [hbm4b:s3+s26], $0x80, s23, s26, $0xb8;
	[tilespmem:$0x16E00] =	vst v63  }
0xe3: {  	s22 =	sadd.s32 $0x6780, s22  }
0xe4: {  	[tilespmem:s1], [sflag:$0x4] =	stream.indirect.gather [hbm4b:s3+s26], $0x80, s22, s26, $0xb8;
	[tilespmem:$0x16E00] =	vst v63  }
0xe5: {  	_ =	swait.ge [sflag:s30], $0x4000  }
0xe6: {  	s22 =	sshrl.u32 s15, $0x3;
	[sflag:s30] =	ssyncset.done $0x0  }
0xe7: {  	s22 =	sadd.s32 s4, s22;
	[sflag:s30] =	ssyncadd.s32 $0xFFFFC000  }
0xe8: {  	[hbm4b:s22+s2] =	stream.linear.scatter [tilespmem:s28], [sflag:$0x5], $0x4000, $0x38;
	[tilespmem:$0x16E00] =	vst v63  }
0xe9: {  	_ =	swait.ge [sflag:s0], $0x4000  }
0xea: {  	[sflag:s0] =	ssyncset.done $0x0  }
0xeb: {  	[sflag:s0] =	ssyncadd.s32 $0xFFFFC000  }
0xec: {  	[hbm4b:s14+s2] =	stream.linear.scatter [tilespmem:s29], [sflag:$0x6], $0x4000, $0x38;
	[tilespmem:$0x16E00] =	vst v63  }
0xed: {  	_ =	swait.ge [sflag:s5], $0x4000  }
0xee: {  	[sflag:s5] =	ssyncset.done $0x0  }
.Ltmp1:
0xef: {  	[sflag:s5] =	ssyncadd.s32 $0xFFFFC000;
	(pc) =	sbr.rel @p0 .LBB2_4-.Ltmp1, $4  }
0xf0: {  	[hbm4b:s13+s2] =	stream.linear.scatter [tilespmem:s31], [sflag:$0x7], $0x4000, $0x38;
	[tilespmem:$0x16E00] =	vst v63  }
0xf1: {  	_ =	swait.ge [sflag:s6], $0x4000  }
0xf2: {  	s14 =	sadd.s32 $0x2000, s14;
	s13 =	sadd.s32 $0x2000, s13;
	[sflag:s6] =	ssyncset.done $0x0  }
0xf3: {  	s25 =	sadd.s32 $0x2000, s25;
	s15 =	sadd.s32 $0x10000, s15;
	[sflag:s6] =	ssyncadd.s32 $0xFFFFC000  }
0xf4: {  	[hbm4b:s21+s2] =	stream.linear.scatter [tilespmem:s1], [sflag:$0x8], $0x4000, $0x38;
	[tilespmem:$0x16E00] =	vst v63  }
0xf5: {  	_ =	swait.ge [sflag:s7], $0x4000  }
0xf6: {  	[sflag:s7] =	ssyncset.done $0x0  }
0xf7: {  	[sflag:s7] =	ssyncadd.s32 $0xFFFFC000  }
0xf8: {  	_ =	swait.ge [sflag:s8], $0x4000  }
0xf9: {  	[sflag:s8] =	ssyncset.done $0x0  }
0xfa: {  	[sflag:s8] =	ssyncadd.s32 $0xFFFFC000  }
0xfb: {  	_ =	swait.ge [sflag:s9], $0x4000  }
0xfc: {  	[sflag:s9] =	ssyncset.done $0x0  }
0xfd: {  	[sflag:s9] =	ssyncadd.s32 $0xFFFFC000  }
0xfe: {  	_ =	swait.ge [sflag:s10], $0x4000  }
0xff: {  	s11 =	sadd.s32 $0x1, s11;
	s12 =	rddreg [dreg:$0x6]  }
0x100: {  	p0 =	sne.s32 s11, s12  }
.Ltmp2:
0x101: {  	_ = 	snop;
	(pc) =	sbr.rel @p0 .LBB2_1-.Ltmp2, $3  }
0x102: {  	_ =	sdelay $0x1  }
0x103: {  	[sflag:s10] =	ssyncset.done $0x0  }
0x104: {  	s21 =	simm.s32 $0x6400;
	[sflag:s10] =	ssyncadd.s32 $0xFFFFC000  }
0x105: {  	_ =	sfence.sel $0x180000  }
0x106: {  	[bflag:$0x0] =	sbarrier.arrive $0xFFFF  }
0x107: {  	_ =	strace $0x90000047  }
0x108: {  	s0 =	stileid.u32;
	[bflag:$0x2] =	sbarrier.arrive $0xFFFF  }
0x109: {  	p0 =	sne.s32 s0, $0x0;
	s0 =	rddreg [dreg:$0x3]  }
0x10a: {  	s0 =	sadd.s32 @!p0 $0x100000, s0  }
0x10b: {  	[sflag:s0] =	ssyncadd.tile.s32 @!p0 $0x1;
	_ =	shalt  }
.Lfunc_end2:
_tile_overlayer_lowered:
.L_overlay_start_2:
0x10c: {  	(tag) =	ssettag $0x2  }
0x10d: {  	s0 =	rddreg [dreg:$0x0];
	s2 =	stileid.u32  }
0x10e: {  	s1 =	rddreg [dreg:$0x1];
	p0 =	sne.s32 s2, $0x0  }
0x10f: {  	s3 =	rddreg [dreg:$0x2];
	[bflag:$0x3] =	sbarrier.arrive $0xFFFF;
	s2 =	simm.s32 @!p0 $0x1C09  }
0x110: {  	[timem:s3], [sflag:s2] =	dma.local @!p0 [hbm:s0], s1  }
0x111: {  	s0 =	simm.s32 @!p0 $0x9  }
0x112: {  	_ =	swait.ge @!p0 [sflag:s0], s1  }
0x113: {  	s1 =	ssub.s32 @!p0 $0x0, s1;
	[sflag:s0] =	ssyncset.done @!p0 $0x0  }
0x114: {  	[sflag:s0] =	ssyncadd.s32 @!p0 s1  }
0x115: {  	[bflag:$0x3] =	sbarrier.arrive $0xFFFF  }
0x116: {  	_ =	shalt  }

// kernel: sparse-core-data-format-call.cloned.1.call-start
scs
called_computation_lowered:
.L_overlay_start_0:
0x0: {  	s2 =	sld [smem:$0x3FD9]  }
0x1: {  	s3 =	sld [smem:$0x3FFE];
	_ =	sdelay $0x1  }
0x2: {  	s1 =	srdreg.scid  }
0x3: {  	s0 =	sand.u32 $0x1, s1  }
0x4: {  	s15 =	sshll.u32 s0, $0xA;
	s2 =	sadd.s32 s3, s2  }
0x5: {  	s2 =	sadd.s32 s2, s15  }
0x6: {  	[smem:$0x3FC5] =	sst s2  }
0x7: {  	_ = 	snop  }
0x8: {  	s2 =	sld [smem:$0x3FD0];
	_ =	sdelay $0x2  }
0x9: {  	s16 =	simm.s32 $0xA;
	s4 =	simm.s32 $0x10  }
0xa: {  	[smem:s4], [sflag:s16] =	dma.local [hbm:s2], $0x1  }
0xb: {  	_ =	swait.eq [sflag:s16], $0x1  }
0xc: {  	[sflag:s16] =	ssyncset.done $0x0  }
0xd: {  	[sflag:s16] =	ssyncadd.s32 $0xFFFFFFFF  }
0xe: {  	s17 =	sld [smem:$0x10];
	(tm) =	ssettm $0x1  }
0xf: {  	s18 =	sld [smem:$0x3FFB];
	_ =	sdelay $0x3  }
0x10: {  	_ =	strace s18  }
0x11: {  	s3 =	sld [smem:$0x3FFC];
	_ =	sdelay $0x3  }
0x12: {  	_ =	strace s3  }
0x13: {  	s3 =	sld [smem:$0x3FFD];
	_ =	sdelay $0x3  }
0x14: {  	_ =	strace s3  }
0x15: {  	_ =	strace $0x8FFFFFFF  }
0x16: {  	s19 =	sld [smem:$0x3FDB];
	_ =	sdelay $0x1  }
0x17: {  	s20 =	simm.s32 $_scs_section_size  }
0x18: {  	s5 =	simm.s32 $_size__tile_overlayer_lowered;
	s6 =	simm.s32 $_tile_overlayer_lowered  }
0x19: {  	s23 =	simm.s32 $0x1BFF;
	s22 =	sshll.u32 s6, $0x1;
	s3 =	sadd.s32 s20, s19  }
0x1a: {  	s7 =	simm.s32 $0x0;
	s21 =	sshll.u32 s5, $0x1;
	s5 =	sadd.s32 s22, s3  }
0x1b: {  	[timem:s7], [sflag:s23] =	dma.local [hbm:s5], s21  }
0x1c: {  	_ =	swait.ge [sflag:s23], s21  }
0x1d: {  	s4 =	ssub.s32 $0x0, s21;
	[sflag:s23] =	ssyncset.done $0x0  }
0x1e: {  	[sflag:s23] =	ssyncadd.s32 s4;
	_ =	sdelay $0x1  }
0x1f: {  	s24 =	simm.s32 $0x1B8B  }
0x20: {  	_ =	swait.ge [sflag:s24], $0x1  }
0x21: {  	[sflag:s24] =	ssyncset.done $0x0  }
0x22: {  	s26 =	simm.s32 $0x1B8E;
	s25 =	sld [smem:$0x3FFE];
	[sflag:s24] =	ssyncadd.s32 $0xFFFFFFFF  }
0x23: {  	s27 =	simm.s32 $execute0_lowered;
	[smem:$0x3FD2] =	sst s26  }
0x24: {  	s5 =	sshll.u32 s27, $0x1;
	_ =	strace $0x80000049;
	[dreg:$0x1] =	wrdreg $0xFFFFFFFF  }
0x25: {  	s28 =	simm.s32 $_size_execute0_lowered;
	s3 =	sadd.s32 s3, s5;
	[dreg:$0x0] =	wrdreg $0x0  }
0x26: {  	s5 =	sshll.u32 s28, $0x1;
	[dreg:$0x2] =	wrdreg s3  }
0x27: {  	[dreg:$0x3] =	wrdreg s5  }
0x28: {  	[dreg:$0x4] =	wrdreg $0xC0  }
0x29: {  	_ =	task [dreg:s7], $0x5FFFF  }
0x2a: {  	[dreg:$0x1] =	wrdreg $0xFFFFFFFF  }
0x2b: {  	[dreg:$0x0] =	wrdreg $0x60  }
0x2c: {  	[dreg:$0x2] =	wrdreg s25  }
0x2d: {  	[dreg:$0x3] =	wrdreg s17  }
0x2e: {  	[dreg:$0x4] =	wrdreg $0x9  }
0x2f: {  	_ =	task.clear_ibuf [dreg:s7], $0x5FFFF;
	_ =	strace $0x90000049  }
0x30: {  	s29 =	simm.s32 $0x9;
	_ =	strace $0x8000004B  }
0x31: {  	_ =	swait.ge [sflag:s29], $0x1  }
0x32: {  	[sflag:s29] =	ssyncadd.s32 $0xFFFFFFFF  }
0x33: {  	_ =	strace $0x9000004B  }
0x34: {  	_ =	sfence  }
0x35: {  	s30 =	sld [smem:$0x0];
	_ =	sdelay $0x2  }
0x36: {  	s31 =	sshll.u32 s1, $0xD;
	s1 =	sshrl.u32 s1, $0x2  }
0x37: {  	s3 =	sand.u32 $0x4000, s31;
	s1 =	sadd.s32 s1, s30  }
0x38: {  	s0 =	sor.u32 s3, s0;
	s1 =	sshll.u32 s1, $0x11  }
0x39: {  	s0 =	sor.u32 s1, s0  }
0x3a: {  	s0 =	sadd.s32 $0x8F2B, s0  }
0x3b: {  	[sflag:s0] =	ssyncadd.remote.s32 $0x1  }
0x3c: {  	_ =	sfence.sel $0xFFFF  }
0x3d: {  	[dreg:$0x0] =	wrdreg $0xFFFFFFFF;
	(pc) =	sbr.abs _section_cstart, $3  }
0x3e: {  	[dreg:$0x1] =	wrdreg $0xFFFFFFFF  }
0x3f: {  	_ =	task.clear_ibuf [dreg:s7], $0x2FFFF;
	_ =	strace $0x9FFFFFFF  }
0x40: {  	(tm) =	ssettm $0x7FFFFFFF  }
0x41: {  	_ =	shalt  }
tec
execute0_lowered:
.L_overlay_start_1:
0x0: {  	(tag) =	ssettag $0x1  }
0x1: {  	s0 =	srdreg.scid  }
0x2: {  	s1 =	sshll.u32 s0, $0x4  }
0x3: {  	s6 =	rddreg [dreg:$0x0];
	s0 =	stileid.u32;
	s1 =	sand.u32 $0x10, s1  }
0x4: {  	s3 =	rddreg [dreg:$0x1];
	s1 =	sor.u32 s0, s1  }
0x5: {  	s5 =	simm.s32 $0x1;
	s31 =	simm.s32 $0x2;
	s2 =	sshll.u32 s1, $0x7  }
0x6: {  	s15 =	simm.s32 $0x0;
	s8 =	simm.s32 $0xC8000;
	s4 =	ssub.s32 $0x1000, s2  }
0x7: {  	s14 =	simm.s32 $0x0;
	s9 =	simm.s32 $0x0;
	s30 =	sand.u32 $0xF80, s4  }
0x8: {  	s10 =	simm.s32 $0x0;
	s11 =	simm.s32 $0x0;
	p0 =	sne.s32 s30, $0x0  }
.Ltmp0:
0x9: {  	s7 =	sshrl.u32 s4, $0xC;
	s5 =	simm.s32 @!p0 $0x0;
	(pc) =	sbr.rel .LBB1_1-.Ltmp0, $4  }
0xa: {  	s13 =	simm.s32 $0x0;
	s1 =	rddreg [dreg:$0x2];
	s5 =	sadd.s32 s5, s7  }
0xb: {  	_ =	strace $0x8000004A;
	s4 =	simm.s32 $0x1;
	s5 =	smul.u32 $0xC8, s5  }
0xc: {  	s6 =	sadd.s32 $0x141000, s6;
	s12 =	smov.u32 s2;
	[sflag:s4] =	ssyncpa.u1 $0x0  }
0xd: {  	[sflag:s31] =	ssyncpa.u1 $0x0;
	p0 =	por $0x0, $0x0;
	s7 =	sor.u32 $0x1, s5  }
.LBB1_4:
0xe: {  	s18 =	sshll.u32 s9, $0xC;
	s19 =	sand.u32 $0x78, s10;
	s20 =	sshll.u32 s10, $0x3  }
0xf: {  	s22 =	sshll.u32 s9, $0x7;
	p1 =	sgt.s32 s9, $0xC7;
	s25 =	sshra.s32 s9, $0x1F  }
0x10: {  	s23 =	smov.u32 s10;
	s24 =	sshra.s32 s10, $0x1F;
	s29 =	sand.u32 $0x7, s10  }
0x11: {  	s18 =	sand.u32 $0xFFFF8000, s18;
	s21 =	sand.u32 $0xFFFFFC00, s20;
	s20 =	sand.u32 $0xC00, s20  }
0x12: {  	s30 =	sand.u32 $0x380, s22;
	s22 =	sand.u32 s25, s9;
	s18 =	sadd.s32 s21, s18  }
0x13: {  	s19 =	sor.u32 s19, s20;
	s20 =	smov.u32 s9;
	s18 =	sshrl.u32 s18, $0xC  }
0x14: {  	s20 =	simm.s32 @!p1 $0xC7;
	p1 =	sgt.s32 s10, $0xF80;
	s31 =	smulhi.u32 $0x147AE15, s18  }
0x15: {  	s26 =	sand.u32 s24, s10;
	s20 =	ssub.s32 s20, s22;
	s23 =	simm.s32 @!p1 $0xF80  }
0x16: {  	s27 =	ssub.s32 $0xC8, s20;
	s22 =	ssub.s32 s23, s26;
	s21 =	smul.u32 $0xC8, s31  }
0x17: {  	s20 =	sadd.s32 $0xFFFFFF39, s20;
	s23 =	smul.u32 $0x32, s27;
	s28 =	sadd.s32 $0xFFFFF080, s22  }
0x18: {  	p1 =	sgt.s32 s20, $0x0;
	s20 =	ssub.s32 $0x1000, s22;
	p2 =	sgt.s32 s28, $0x7F  }
0x19: {  	s19 =	sor.u32 s30, s19;
	s23 =	simm.s32 @p1 $0x0;
	s20 =	simm.s32 @p2 $0x0  }
0x1a: {  	[tilespmem:s17+$0x810 ss:$0x81] =	vst.msk $0xffff, v2;
	s19 =	sshrl.u32 s19, $0x3;
	s18 =	ssub.s32 s18, s21;
	s20 =	smul.u32 s20, s23  }
0x1b: {  	[tilespmem:s17+$0x1020 ss:$0x81] =	vst.msk $0xffff, v0;
	s19 =	sadd.s32 s3, s19;
	s21 =	sshll.u32 s29, $0x12;
	s18 =	sshll.u32 s18, $0x9  }
0x1c: {  	[tilespmem:s17+$0x0 ss:$0x81] =	vst.msk $0xffff, v1;
	s31 =	sor.u32 $0x80, s21;
	s18 =	sadd.s32 s18, s19;
	s30 =	sand.u32 $0x3FFFFFFE, s20  }
0x1d: {  	[hbm4b:s18+s31] =	stream.strided.scatter [tilespmem:s16], [sflag:$0x2], s30, s8, s31, $0x20;
	[tilespmem:$0x8080] =	vst v63  }
.LBB1_5:
0x1e: {  	p1 =	slt.u32 s13, $0x2  }
0x1f: {  	s17 =	smov.u32 s15;
	p2 =	sgt.s32 @!p1 s15, $0xC7;
	s16 =	sshra.s32 @!p1 s15, $0x1F  }
0x20: {  	p3 =	sgt.s32 @!p1 s14, $0xF80;
	s18 =	sshra.s32 @!p1 s14, $0x1F;
	p2 =	por !p2, p1  }
0x21: {  	s15 =	sand.u32 @!p1 s16, s15;
	p3 =	por !p3, p1;
	s16 =	smov.u32 s14  }
0x22: {  	s14 =	sand.u32 @!p1 s18, s14;
	s17 =	simm.s32 @p2 $0xC7;
	s16 =	simm.s32 @p3 $0xF80  }
0x23: {  	s18 =	smov.u32 s12;
	s15 =	ssub.s32 @!p1 s17, s15;
	s14 =	ssub.s32 @!p1 s16, s14  }
0x24: {  	s16 =	sadd.s32 @!p1 $0xFFFFFF39, s15;
	s15 =	ssub.s32 @!p1 $0xC8, s15;
	s17 =	sadd.s32 @!p1 $0xFFFFF080, s14  }
0x25: {  	p2 =	sgt.s32 @!p1 s16, $0x0;
	s15 =	smul.u32 @!p1 $0x32, s15;
	p3 =	sgt.s32 @!p1 s17, $0x7F  }
0x26: {  	s14 =	ssub.s32 @!p1 $0x1000, s14;
	p2 =	por !p2, p1;
	p3 =	por !p3, p1  }
0x27: {  	s16 =	sadd.s32 $0x1, s11;
	s15 =	simm.s32 @!p2 $0x0;
	s14 =	simm.s32 @!p3 $0x0  }
0x28: {  	p2 =	sgt.s32 s16, $0xC7;
	s14 =	smul.u32 @!p1 s14, s15;
	s15 =	sadd.s32 $0x1000, s12  }
0x29: {  	s18 =	smov.u32 @p2 s15  }
0x2a: {  	s16 =	simm.s32 @p2 $0x0;
	p2 =	sgt.s32 s18, $0xFFF  }
0x2b: {  	s18 =	smov.u32 @p2 s2;
	p2 =	sne.s32 s13, s7  }
.Ltmp1:
0x2c: {  	p0 =	por !p0, !p0;
	s17 =	simm.s32 @!p1 $0x2;
	(pc) =	sbr.rel @!p2 .LBB1_6-.Ltmp1, $4  }
0x2d: {  	s15 =	smov.u32 s9;
	s9 =	smov.u32 s11;
	s14 =	sand.u32 @!p1 $0x3FFFFFFE, s14  }
0x2e: {  	s11 =	smov.u32 s16;
	_ =	swait.ge @!p1 [sflag:s17], s14;
	s19 =	ssub.s32 @!p1 $0x0, s14  }
0x2f: {  	s14 =	smov.u32 s10;
	s13 =	sadd.s32 $0x1, s13;
	[sflag:s17] =	ssyncset.done @!p1 $0x0  }
0x30: {  	s10 =	smov.u32 s12;
	s12 =	smov.u32 s18;
	[sflag:s17] =	ssyncadd.s32 @!p1 s19  }
.LBB1_1:
0x31: {  	p1 =	sge.u32 s13, s5  }
0x32: {  	s16 =	sand.u32 @!p1 $0x1FFFFFF, s11  }
0x33: {  	s17 =	smulhi.u32 @!p1 $0x147AE15, s16;
	_ =	sdelay $0x1  }
0x34: {  	s17 =	smul.u32 @!p1 $0xC8, s17  }
0x35: {  	s18 =	sxor.u32 @!p1 $0xFFFFFFFF, s13;
	s19 =	smul.u32 @!p1 $0xC80, s12  }
0x36: {  	s31 =	sadd.s32 $0xFFFFFFFF, s13;
	s18 =	sshll.u32 @!p1 s18, $0xD;
	s16 =	ssub.s32 @!p1 s16, s17  }
0x37: {  	s17 =	sand.u32 @!p1 $0x2000, s18;
	s18 =	sadd.s32 @!p1 s6, s19;
	s16 =	sshll.u32 @!p1 s16, $0x4  }
0x38: {  	s19 =	simm.s32 @!p1 $0x6400;
	s16 =	sadd.s32 @!p1 s16, s18;
	s18 =	simm.s32 @!p1 $0x40  }
0x39: {  	[tilespmem:s17], [sflag:$0x1] =	stream.strided.gather @!p1 [hbm4b:s16+s18], $0x2000, s19, s18, $0x38;
	[tilespmem:$0x8080] =	vst v63  }
0x3a: {  	p1 =	sge.u32 s31, s5  }
.Ltmp2:
0x3b: {  	_ = 	snop;
	(pc) =	sbr.rel @p1 .LBB1_5-.Ltmp2, $1  }
0x3c: {  	_ =	sdelay $0x3  }
0x3d: {  	s16 =	simm.s32 $0x1  }
0x3e: {  	_ =	swait.ge [sflag:s4], $0x2000;
	s16 =	simm.s32 @!p0 $0x0  }
0x3f: {  	[sflag:s4] =	ssyncset.done $0x0;
	s17 =	sshll.u32 s16, $0xD  }
0x40: {  	[sflag:s4] =	ssyncadd.s32 $0xFFFFE000;
	s20 =	sor.u32 $0x20, s17  }
0x41: {  	s16 =	smul.u32 $0x8100, s16;
	v3 =	vld [tilespmem:s20+$0x10]  }
0x42: {  	s30 =	sand.u32 $0x1, s13;
	v2 =	vld [tilespmem:s20+$0xFFFFFFF0]  }
0x43: {  	s17 =	smul.u32 $0x8100, s30;
	s16 =	sshrl.u32 s16, $0x2;
	v0 =	vld [tilespmem:s20+$0x0]  }
0x44: {  	v1 =	vld [tilespmem:s20+$0xFFFFFFE0];
	s18 =	sor.u32 $0x4000, s16  }
0x45: {  	s31 =	sshrl.u32 s17, $0x2;
	s17 =	sadd.s32 $0x0, s18  }
0x46: {  	s19 =	simm.s32 $0x4;
	s20 =	sadd.s32 $0x40, s20;
	s16 =	sor.u32 $0x4000, s31;
	[tilespmem:s17+$0x1830 ss:$0x81] =	vst.msk $0xffff, v3  }
.LBB1_3:
0x47: {  	v3 =	vld [tilespmem:s20+$0x10];
	p1 =	sne.s32 s19, $0x1FC;
	[tilespmem:s17+$0x810 ss:$0x81] =	vst.msk $0xffff, v2;
	s21 =	smov.u32 s19;
	s19 =	sadd.s32 $0x4, s19  }
.Ltmp3:
0x48: {  	v2 =	vld [tilespmem:s20+$0xFFFFFFF0];
	[tilespmem:s17+$0x1020 ss:$0x81] =	vst.msk $0xffff, v0;
	(pc) =	sbr.rel @p1 .LBB1_3-.Ltmp3, $4  }
0x49: {  	v0 =	vld [tilespmem:s20+$0x0];
	[tilespmem:s17+$0x0 ss:$0x81] =	vst.msk $0xffff, v1  }
0x4a: {  	s17 =	sshra.s32 s21, $0x2;
	v1 =	vld [tilespmem:s20+$0xFFFFFFE0]  }
0x4b: {  	s17 =	sadd.s32 s17, s18  }
0x4c: {  	s20 =	sadd.s32 $0x40, s20;
	[tilespmem:s17+$0x1830 ss:$0x81] =	vst.msk $0xffff, v3  }
.Ltmp4:
0x4d: {  	_ = 	snop;
	(pc) =	sbr.rel .LBB1_4-.Ltmp4, $1  }
0x4e: {  	_ =	sdelay $0x3  }
.LBB1_6:
0x4f: {  	_ =	sfence.sel $0x180000  }
0x50: {  	s2 =	simm.s32 $0x1;
	[bflag:$0x0] =	sbarrier.arrive $0xFFFF  }
0x51: {  	s31 =	simm.s32 $0x2;
	[sflag:s2] =	ssyncpa.u1 $0x1  }
0x52: {  	[sflag:s31] =	ssyncpa.u1 $0x1  }
0x53: {  	p0 =	sne.s32 s0, $0x0;
	_ =	strace $0x9000004A  }
0x54: {  	s0 =	sadd.s32 @!p0 $0x100000, s1;
	[bflag:$0x2] =	sbarrier.arrive $0xFFFF  }
0x55: {  	[sflag:s0] =	ssyncadd.tile.s32 @!p0 $0x1;
	_ =	shalt  }
.Lfunc_end1:
_tile_overlayer_lowered:
.L_overlay_start_2:
0x56: {  	(tag) =	ssettag $0x2  }
0x57: {  	s0 =	rddreg [dreg:$0x0];
	s2 =	stileid.u32  }
0x58: {  	s1 =	rddreg [dreg:$0x1];
	p0 =	sne.s32 s2, $0x0  }
0x59: {  	s3 =	rddreg [dreg:$0x2];
	[bflag:$0x3] =	sbarrier.arrive $0xFFFF;
	s2 =	simm.s32 @!p0 $0x1C01  }
0x5a: {  	[timem:s3], [sflag:s2] =	dma.local @!p0 [hbm:s0], s1  }
0x5b: {  	s0 =	simm.s32 @!p0 $0x1  }
0x5c: {  	_ =	swait.ge @!p0 [sflag:s0], s1  }
0x5d: {  	s1 =	ssub.s32 @!p0 $0x0, s1;
	[sflag:s0] =	ssyncset.done @!p0 $0x0  }
0x5e: {  	[sflag:s0] =	ssyncadd.s32 @!p0 s1  }
0x5f: {  	[bflag:$0x3] =	sbarrier.arrive $0xFFFF  }
0x60: {  	_ =	shalt  }

</sc_bundles>
